<compile_context>
chip_gen: v7x
topology: tpu7x:2x2x1
jax: 0.10.2.dev20260603
libtpu: 0.0.44.dev20260713+nightly
codegen_flags: <defaults>
</compile_context>

<pallas_src>
import functools
import math

import jax
import jax.numpy as jnp
from jax import lax
from jax.experimental import pallas as pl
from jax.experimental.pallas import tpu as pltpu
from jax.experimental.pallas import tpu_sc as plsc

_TEMP_INV = 1.0 / math.e
_NE = 8
_NA = 5


def _scores_body(x_ref, w_ref, b_ref, o_ref):
    s = lax.dot_general(
        w_ref[...], x_ref[...], (((1,), (1,)), ((), ())),
        preferred_element_type=jnp.float32)
    o_ref[...] = (s + b_ref[...]) * _TEMP_INV


def _scores_tc(x, W, b2):
    n, d = x.shape
    rows = 4096
    return pl.pallas_call(
        _scores_body,
        grid=(n // rows,),
        in_specs=[
            pl.BlockSpec((rows, d), lambda i: (i, 0)),
            pl.BlockSpec((_NE, d), lambda i: (0, 0)),
            pl.BlockSpec((_NE, 1), lambda i: (0, 0)),
        ],
        out_specs=pl.BlockSpec((_NE, rows), lambda i: (0, i)),
        out_shape=jax.ShapeDtypeStruct((_NE, n), jnp.float32),
    )(x, W, b2)


def _gate_sc(s_t):
    ne, n = s_t.shape
    info = plsc.get_sparse_core_info()
    nw = info.num_cores * info.num_subcores
    lanes = info.num_lanes
    chunk = n // nw
    mesh = plsc.VectorSubcoreMesh(core_axis_name="c", subcore_axis_name="s")

    @functools.partial(
        pl.kernel,
        out_type=jax.ShapeDtypeStruct((ne, n), jnp.float32),
        mesh=mesh,
        scratch_types=[
            pltpu.VMEM((ne, chunk), jnp.float32),
            pltpu.VMEM((ne, chunk), jnp.float32),
        ],
    )
    def gate(s_hbm, o_hbm, s_v, o_v):
        wid = lax.axis_index("s") * info.num_cores + lax.axis_index("c")
        base = wid * chunk
        pltpu.sync_copy(s_hbm.at[:, pl.ds(base, chunk)], s_v)
        zero = jnp.zeros((lanes,), jnp.float32)
        one = jnp.ones((lanes,), jnp.float32)

        def gate_group(col):
            sv = [s_v[e, pl.ds(col, lanes)] for e in range(_NE)]
            m = sv[0]
            for e in range(1, _NE):
                m = jnp.maximum(m, sv[e])
            ev = [jnp.exp(v - m) for v in sv]
            z = ev[0]
            for e in range(1, _NE):
                z = z + ev[e]
            kept = []
            for i in range(_NE):
                rank = zero
                for j in range(_NE):
                    if j < i:
                        hit = ev[j] >= ev[i]
                    elif j > i:
                        hit = ev[j] > ev[i]
                    else:
                        continue
                    rank = rank + jnp.where(hit, one, zero)
                keep = rank < (_NA - 0.5)
                kept.append(jnp.where(keep, ev[i], zero))
            s_kept = kept[0]
            for e in range(1, _NE):
                s_kept = s_kept + kept[e]
            inv = 1.0 / (s_kept + 1e-8 * z)
            for e in range(_NE):
                o_v[e, pl.ds(col, lanes)] = kept[e] * inv

        def step(g, carry):
            gate_group(g * 2 * lanes)
            gate_group(g * 2 * lanes + lanes)
            return carry

        lax.fori_loop(0, chunk // (2 * lanes), step, 0)
        pltpu.sync_copy(o_v, o_hbm.at[:, pl.ds(base, chunk)])

    return gate(s_t)


def kernel(x, W, b):
    s_t = _scores_tc(x, W, b.reshape(_NE, 1))
    return _gate_sc(s_t).T

# --- scband reference (transcript-rebuilt; emitter-appended) ---
"""Pipeline reference for scband-boltzmann-gate-7430293422699 (READ-ONLY COPY).

The authoritative reference and input builder live on the scoring server;
editing this copy changes nothing except your own understanding.
"""

import jax, jax.numpy as jnp
import numpy as np

TEMPERATURE = float(np.e)
N_EXPERTS = 8
ACTIVE_RATIO = 0.625
N_ACTIVE = max(1, int(N_EXPERTS * ACTIVE_RATIO))  # 5


def setup_inputs(seed: int = 0) -> dict:
    key = jax.random.key(seed)
    k1, k2 = jax.random.split(key, 2)
    x = jax.random.normal(k1, (32768, 768), dtype=jnp.float32)
    # nn.Linear(input_dim, n_experts): weight [n_experts, input_dim], bias [n_experts]
    W = jax.random.normal(k2, (N_EXPERTS, 768), dtype=jnp.float32) * 0.02
    b = jnp.zeros((N_EXPERTS,), dtype=jnp.float32)
    return {"x": x, "W": W, "b": b}


def reference(x, W, b):
    scores = (x @ W.T + b) / TEMPERATURE
    probs = jax.nn.softmax(scores, axis=-1)
    topk_vals, topk_idx = jax.lax.top_k(probs, N_ACTIVE)
    rows = jnp.arange(probs.shape[0])[:, None]
    mask = jnp.zeros_like(probs).at[rows, topk_idx].set(1.0)
    weights = probs * mask
    return weights / (weights.sum(axis=-1, keepdims=True) + 1e-08)

if __name__ == "__main__":
    import jax
    _d = setup_inputs()
    print(jax.jit(kernel)(*tuple(_d.values())))

</pallas_src>

<mosaic_0001>
#map = affine_map<(d0, d1) -> (0, 0)>
module attributes {stable_mosaic.version = 14 : i64} {
  func.func @gate(%arg0: i32, %arg1: i32, %arg2: memref<8x32768xf32, #tpu.memory_space<hbm>>, %arg3: memref<8x32768xf32, #tpu.memory_space<hbm>>, %arg4: memref<8x1024xf32, #tpu.memory_space<vmem>>, %arg5: memref<8x1024xf32, #tpu.memory_space<vmem>>) attributes {dimension_semantics = [#tpu.dimension_semantics<core_parallel>, #tpu.dimension_semantics<subcore_parallel>], iteration_bounds = array<i64: 2, 16>, scalar_prefetch = 0 : i64, scratch_operands = 2 : i64, tpu.core_type = #tpu.core_type<sc_vector_subcore>, window_params = [{transform_indices = #map}, {transform_indices = #map}]} {
    %mul3A = arith.constant 2 : i32
    %mul3A_0 = arith.muli %arg1, %mul3A : i32
    %add3A = arith.addi %mul3A_0, %arg0 : i32
    %mul3A_1 = arith.constant 1024 : i32
    %mul3A_2 = arith.muli %add3A, %mul3A_1 : i32
    "tpu.region"() ({
      %run_scoped3A = tpu.sem_alloc : memref<!tpu.dma_semaphore, #tpu.memory_space<semaphore_mem>>
      %dma_start3A = arith.constant 0 : i32
      %dma_start3A_11 = tpu.memref_slice %arg2[%dma_start3A, %mul3A_2] : memref<8x32768xf32, #tpu.memory_space<hbm>> -> memref<8x1024xf32, #tpu.memory_space<hbm>>
      %dma_start3A_12 = arith.constant 0 : i32
      %dma_start3A_13 = tpu.memref_slice %arg2[%dma_start3A_12, %mul3A_2] : memref<8x32768xf32, #tpu.memory_space<hbm>> -> memref<8x1024xf32, #tpu.memory_space<hbm>>
      tpu.enqueue_dma source(%dma_start3A_13 : memref<8x1024xf32, #tpu.memory_space<hbm>>) target(%arg4 : memref<8x1024xf32, #tpu.memory_space<vmem>>) target_semaphore(%run_scoped3A : memref<!tpu.dma_semaphore, #tpu.memory_space<semaphore_mem>>)
      %dma_wait3A = arith.constant 0 : i32
      %dma_wait3A_14 = tpu.memref_slice %arg2[%dma_wait3A, %mul3A_2] : memref<8x32768xf32, #tpu.memory_space<hbm>> -> memref<8x1024xf32, #tpu.memory_space<hbm>>
      %dma_wait3A_15 = arith.constant 0 : i32
      %dma_wait3A_16 = tpu.memref_slice %arg2[%dma_wait3A_15, %mul3A_2] : memref<8x32768xf32, #tpu.memory_space<hbm>> -> memref<8x1024xf32, #tpu.memory_space<hbm>>
      tpu.wait_dma2 semaphore(%run_scoped3A : memref<!tpu.dma_semaphore, #tpu.memory_space<semaphore_mem>>) src(%dma_wait3A_16 : memref<8x1024xf32, #tpu.memory_space<hbm>>) dst(%arg4 : memref<8x1024xf32, #tpu.memory_space<vmem>>)
      tpu.yield
    }) : () -> ()
    %broadcast_in_dim3A = arith.constant 0.000000e+00 : f32
    %broadcast_in_dim3A_3 = vector.broadcast %broadcast_in_dim3A : f32 to vector<16xf32>
    %broadcast_in_dim3A_4 = arith.constant 1.000000e+00 : f32
    %broadcast_in_dim3A_5 = vector.broadcast %broadcast_in_dim3A_4 : f32 to vector<16xf32>
    %scan3A = arith.constant 0 : i32
    %scan3A_6 = arith.constant 0 : i32
    %scan3A_7 = arith.constant 32 : i32
    %scan3A_8 = arith.addi %scan3A_6, %scan3A_7 : i32
    %scan3A_9 = arith.constant 1 : i32
    scf.for %scan3A_11 = %scan3A_6 to %scan3A_8 step %scan3A_9  : i32 {
      %mul3A_12 = arith.constant 2 : i32
      %mul3A_13 = arith.muli %scan3A_11, %mul3A_12 : i32
      %mul3A_14 = arith.constant 16 : i32
      %mul3A_15 = arith.muli %mul3A_13, %mul3A_14 : i32
      %get3A = arith.constant 0 : i32
      %get3A_16 = arith.index_cast %get3A : i32 to index
      %get3A_17 = arith.index_cast %mul3A_15 : i32 to index
      %get3A_18 = tpu.vector_load %arg4[%get3A_16, %get3A_17] {strides = array<i32>} : memref<8x1024xf32, #tpu.memory_space<vmem>>, vector<1x16xf32>,
      %get3A_19 = vector.shape_cast %get3A_18 : vector<1x16xf32> to vector<16xf32>
      %get3A_20 = arith.constant 1 : i32
      %get3A_21 = arith.index_cast %get3A_20 : i32 to index
      %get3A_22 = arith.index_cast %mul3A_15 : i32 to index
      %get3A_23 = tpu.vector_load %arg4[%get3A_21, %get3A_22] {strides = array<i32>} : memref<8x1024xf32, #tpu.memory_space<vmem>>, vector<1x16xf32>,
      %get3A_24 = vector.shape_cast %get3A_23 : vector<1x16xf32> to vector<16xf32>
      %get3A_25 = arith.constant 2 : i32
      %get3A_26 = arith.index_cast %get3A_25 : i32 to index
      %get3A_27 = arith.index_cast %mul3A_15 : i32 to index
      %get3A_28 = tpu.vector_load %arg4[%get3A_26, %get3A_27] {strides = array<i32>} : memref<8x1024xf32, #tpu.memory_space<vmem>>, vector<1x16xf32>,
      %get3A_29 = vector.shape_cast %get3A_28 : vector<1x16xf32> to vector<16xf32>
      %get3A_30 = arith.constant 3 : i32
      %get3A_31 = arith.index_cast %get3A_30 : i32 to index
      %get3A_32 = arith.index_cast %mul3A_15 : i32 to index
      %get3A_33 = tpu.vector_load %arg4[%get3A_31, %get3A_32] {strides = array<i32>} : memref<8x1024xf32, #tpu.memory_space<vmem>>, vector<1x16xf32>,
      %get3A_34 = vector.shape_cast %get3A_33 : vector<1x16xf32> to vector<16xf32>
      %get3A_35 = arith.constant 4 : i32
      %get3A_36 = arith.index_cast %get3A_35 : i32 to index
      %get3A_37 = arith.index_cast %mul3A_15 : i32 to index
      %get3A_38 = tpu.vector_load %arg4[%get3A_36, %get3A_37] {strides = array<i32>} : memref<8x1024xf32, #tpu.memory_space<vmem>>, vector<1x16xf32>,
      %get3A_39 = vector.shape_cast %get3A_38 : vector<1x16xf32> to vector<16xf32>
      %get3A_40 = arith.constant 5 : i32
      %get3A_41 = arith.index_cast %get3A_40 : i32 to index
      %get3A_42 = arith.index_cast %mul3A_15 : i32 to index
      %get3A_43 = tpu.vector_load %arg4[%get3A_41, %get3A_42] {strides = array<i32>} : memref<8x1024xf32, #tpu.memory_space<vmem>>, vector<1x16xf32>,
      %get3A_44 = vector.shape_cast %get3A_43 : vector<1x16xf32> to vector<16xf32>
      %get3A_45 = arith.constant 6 : i32
      %get3A_46 = arith.index_cast %get3A_45 : i32 to index
      %get3A_47 = arith.index_cast %mul3A_15 : i32 to index
      %get3A_48 = tpu.vector_load %arg4[%get3A_46, %get3A_47] {strides = array<i32>} : memref<8x1024xf32, #tpu.memory_space<vmem>>, vector<1x16xf32>,
      %get3A_49 = vector.shape_cast %get3A_48 : vector<1x16xf32> to vector<16xf32>
      %get3A_50 = arith.constant 7 : i32
      %get3A_51 = arith.index_cast %get3A_50 : i32 to index
      %get3A_52 = arith.index_cast %mul3A_15 : i32 to index
      %get3A_53 = tpu.vector_load %arg4[%get3A_51, %get3A_52] {strides = array<i32>} : memref<8x1024xf32, #tpu.memory_space<vmem>>, vector<1x16xf32>,
      %get3A_54 = vector.shape_cast %get3A_53 : vector<1x16xf32> to vector<16xf32>
      %max3A = arith.maximumf %get3A_19, %get3A_24 : vector<16xf32>
      %max3A_55 = arith.maximumf %max3A, %get3A_29 : vector<16xf32>
      %max3A_56 = arith.maximumf %max3A_55, %get3A_34 : vector<16xf32>
      %max3A_57 = arith.maximumf %max3A_56, %get3A_39 : vector<16xf32>
      %max3A_58 = arith.maximumf %max3A_57, %get3A_44 : vector<16xf32>
      %max3A_59 = arith.maximumf %max3A_58, %get3A_49 : vector<16xf32>
      %max3A_60 = arith.maximumf %max3A_59, %get3A_54 : vector<16xf32>
      %sub3A = arith.subf %get3A_19, %max3A_60 : vector<16xf32>
      %exp3A = math.exp %sub3A : vector<16xf32>
      %sub3A_61 = arith.subf %get3A_24, %max3A_60 : vector<16xf32>
      %exp3A_62 = math.exp %sub3A_61 : vector<16xf32>
      %sub3A_63 = arith.subf %get3A_29, %max3A_60 : vector<16xf32>
      %exp3A_64 = math.exp %sub3A_63 : vector<16xf32>
      %sub3A_65 = arith.subf %get3A_34, %max3A_60 : vector<16xf32>
      %exp3A_66 = math.exp %sub3A_65 : vector<16xf32>
      %sub3A_67 = arith.subf %get3A_39, %max3A_60 : vector<16xf32>
      %exp3A_68 = math.exp %sub3A_67 : vector<16xf32>
      %sub3A_69 = arith.subf %get3A_44, %max3A_60 : vector<16xf32>
      %exp3A_70 = math.exp %sub3A_69 : vector<16xf32>
      %sub3A_71 = arith.subf %get3A_49, %max3A_60 : vector<16xf32>
      %exp3A_72 = math.exp %sub3A_71 : vector<16xf32>
      %sub3A_73 = arith.subf %get3A_54, %max3A_60 : vector<16xf32>
      %exp3A_74 = math.exp %sub3A_73 : vector<16xf32>
      %add3A_75 = arith.addf %exp3A, %exp3A_62 : vector<16xf32>
      %add3A_76 = arith.addf %add3A_75, %exp3A_64 : vector<16xf32>
      %add3A_77 = arith.addf %add3A_76, %exp3A_66 : vector<16xf32>
      %add3A_78 = arith.addf %add3A_77, %exp3A_68 : vector<16xf32>
      %add3A_79 = arith.addf %add3A_78, %exp3A_70 : vector<16xf32>
      %add3A_80 = arith.addf %add3A_79, %exp3A_72 : vector<16xf32>
      %add3A_81 = arith.addf %add3A_80, %exp3A_74 : vector<16xf32>
      %gt3A = arith.cmpf ogt, %exp3A_62, %exp3A : vector<16xf32>
      %select_n3A = arith.select %gt3A, %broadcast_in_dim3A_5, %broadcast_in_dim3A_3 : vector<16xi1>, vector<16xf32>
      %add3A_82 = arith.addf %broadcast_in_dim3A_3, %select_n3A : vector<16xf32>
      %gt3A_83 = arith.cmpf ogt, %exp3A_64, %exp3A : vector<16xf32>
      %select_n3A_84 = arith.select %gt3A_83, %broadcast_in_dim3A_5, %broadcast_in_dim3A_3 : vector<16xi1>, vector<16xf32>
      %add3A_85 = arith.addf %add3A_82, %select_n3A_84 : vector<16xf32>
      %gt3A_86 = arith.cmpf ogt, %exp3A_66, %exp3A : vector<16xf32>
      %select_n3A_87 = arith.select %gt3A_86, %broadcast_in_dim3A_5, %broadcast_in_dim3A_3 : vector<16xi1>, vector<16xf32>
      %add3A_88 = arith.addf %add3A_85, %select_n3A_87 : vector<16xf32>
      %gt3A_89 = arith.cmpf ogt, %exp3A_68, %exp3A : vector<16xf32>
      %select_n3A_90 = arith.select %gt3A_89, %broadcast_in_dim3A_5, %broadcast_in_dim3A_3 : vector<16xi1>, vector<16xf32>
      %add3A_91 = arith.addf %add3A_88, %select_n3A_90 : vector<16xf32>
      %gt3A_92 = arith.cmpf ogt, %exp3A_70, %exp3A : vector<16xf32>
      %select_n3A_93 = arith.select %gt3A_92, %broadcast_in_dim3A_5, %broadcast_in_dim3A_3 : vector<16xi1>, vector<16xf32>
      %add3A_94 = arith.addf %add3A_91, %select_n3A_93 : vector<16xf32>
      %gt3A_95 = arith.cmpf ogt, %exp3A_72, %exp3A : vector<16xf32>
      %select_n3A_96 = arith.select %gt3A_95, %broadcast_in_dim3A_5, %broadcast_in_dim3A_3 : vector<16xi1>, vector<16xf32>
      %add3A_97 = arith.addf %add3A_94, %select_n3A_96 : vector<16xf32>
      %gt3A_98 = arith.cmpf ogt, %exp3A_74, %exp3A : vector<16xf32>
      %select_n3A_99 = arith.select %gt3A_98, %broadcast_in_dim3A_5, %broadcast_in_dim3A_3 : vector<16xi1>, vector<16xf32>
      %add3A_100 = arith.addf %add3A_97, %select_n3A_99 : vector<16xf32>
      %lt3A = arith.constant 4.500000e+00 : f32
      %lt3A_101 = vector.broadcast %lt3A : f32 to vector<16xf32>
      %lt3A_102 = arith.cmpf olt, %add3A_100, %lt3A_101 : vector<16xf32>
      %select_n3A_103 = arith.select %lt3A_102, %exp3A, %broadcast_in_dim3A_3 : vector<16xi1>, vector<16xf32>
      %ge3A = arith.cmpf oge, %exp3A, %exp3A_62 : vector<16xf32>
      %select_n3A_104 = arith.select %ge3A, %broadcast_in_dim3A_5, %broadcast_in_dim3A_3 : vector<16xi1>, vector<16xf32>
      %add3A_105 = arith.addf %broadcast_in_dim3A_3, %select_n3A_104 : vector<16xf32>
      %gt3A_106 = arith.cmpf ogt, %exp3A_64, %exp3A_62 : vector<16xf32>
      %select_n3A_107 = arith.select %gt3A_106, %broadcast_in_dim3A_5, %broadcast_in_dim3A_3 : vector<16xi1>, vector<16xf32>
      %add3A_108 = arith.addf %add3A_105, %select_n3A_107 : vector<16xf32>
      %gt3A_109 = arith.cmpf ogt, %exp3A_66, %exp3A_62 : vector<16xf32>
      %select_n3A_110 = arith.select %gt3A_109, %broadcast_in_dim3A_5, %broadcast_in_dim3A_3 : vector<16xi1>, vector<16xf32>
      %add3A_111 = arith.addf %add3A_108, %select_n3A_110 : vector<16xf32>
      %gt3A_112 = arith.cmpf ogt, %exp3A_68, %exp3A_62 : vector<16xf32>
      %select_n3A_113 = arith.select %gt3A_112, %broadcast_in_dim3A_5, %broadcast_in_dim3A_3 : vector<16xi1>, vector<16xf32>
      %add3A_114 = arith.addf %add3A_111, %select_n3A_113 : vector<16xf32>
      %gt3A_115 = arith.cmpf ogt, %exp3A_70, %exp3A_62 : vector<16xf32>
      %select_n3A_116 = arith.select %gt3A_115, %broadcast_in_dim3A_5, %broadcast_in_dim3A_3 : vector<16xi1>, vector<16xf32>
      %add3A_117 = arith.addf %add3A_114, %select_n3A_116 : vector<16xf32>
      %gt3A_118 = arith.cmpf ogt, %exp3A_72, %exp3A_62 : vector<16xf32>
      %select_n3A_119 = arith.select %gt3A_118, %broadcast_in_dim3A_5, %broadcast_in_dim3A_3 : vector<16xi1>, vector<16xf32>
      %add3A_120 = arith.addf %add3A_117, %select_n3A_119 : vector<16xf32>
      %gt3A_121 = arith.cmpf ogt, %exp3A_74, %exp3A_62 : vector<16xf32>
      %select_n3A_122 = arith.select %gt3A_121, %broadcast_in_dim3A_5, %broadcast_in_dim3A_3 : vector<16xi1>, vector<16xf32>
      %add3A_123 = arith.addf %add3A_120, %select_n3A_122 : vector<16xf32>
      %lt3A_124 = arith.constant 4.500000e+00 : f32
      %lt3A_125 = vector.broadcast %lt3A_124 : f32 to vector<16xf32>
      %lt3A_126 = arith.cmpf olt, %add3A_123, %lt3A_125 : vector<16xf32>
      %select_n3A_127 = arith.select %lt3A_126, %exp3A_62, %broadcast_in_dim3A_3 : vector<16xi1>, vector<16xf32>
      %ge3A_128 = arith.cmpf oge, %exp3A, %exp3A_64 : vector<16xf32>
      %select_n3A_129 = arith.select %ge3A_128, %broadcast_in_dim3A_5, %broadcast_in_dim3A_3 : vector<16xi1>, vector<16xf32>
      %add3A_130 = arith.addf %broadcast_in_dim3A_3, %select_n3A_129 : vector<16xf32>
      %ge3A_131 = arith.cmpf oge, %exp3A_62, %exp3A_64 : vector<16xf32>
      %select_n3A_132 = arith.select %ge3A_131, %broadcast_in_dim3A_5, %broadcast_in_dim3A_3 : vector<16xi1>, vector<16xf32>
      %add3A_133 = arith.addf %add3A_130, %select_n3A_132 : vector<16xf32>
      %gt3A_134 = arith.cmpf ogt, %exp3A_66, %exp3A_64 : vector<16xf32>
      %select_n3A_135 = arith.select %gt3A_134, %broadcast_in_dim3A_5, %broadcast_in_dim3A_3 : vector<16xi1>, vector<16xf32>
      %add3A_136 = arith.addf %add3A_133, %select_n3A_135 : vector<16xf32>
      %gt3A_137 = arith.cmpf ogt, %exp3A_68, %exp3A_64 : vector<16xf32>
      %select_n3A_138 = arith.select %gt3A_137, %broadcast_in_dim3A_5, %broadcast_in_dim3A_3 : vector<16xi1>, vector<16xf32>
      %add3A_139 = arith.addf %add3A_136, %select_n3A_138 : vector<16xf32>
      %gt3A_140 = arith.cmpf ogt, %exp3A_70, %exp3A_64 : vector<16xf32>
      %select_n3A_141 = arith.select %gt3A_140, %broadcast_in_dim3A_5, %broadcast_in_dim3A_3 : vector<16xi1>, vector<16xf32>
      %add3A_142 = arith.addf %add3A_139, %select_n3A_141 : vector<16xf32>
      %gt3A_143 = arith.cmpf ogt, %exp3A_72, %exp3A_64 : vector<16xf32>
      %select_n3A_144 = arith.select %gt3A_143, %broadcast_in_dim3A_5, %broadcast_in_dim3A_3 : vector<16xi1>, vector<16xf32>
      %add3A_145 = arith.addf %add3A_142, %select_n3A_144 : vector<16xf32>
      %gt3A_146 = arith.cmpf ogt, %exp3A_74, %exp3A_64 : vector<16xf32>
      %select_n3A_147 = arith.select %gt3A_146, %broadcast_in_dim3A_5, %broadcast_in_dim3A_3 : vector<16xi1>, vector<16xf32>
      %add3A_148 = arith.addf %add3A_145, %select_n3A_147 : vector<16xf32>
      %lt3A_149 = arith.constant 4.500000e+00 : f32
      %lt3A_150 = vector.broadcast %lt3A_149 : f32 to vector<16xf32>
      %lt3A_151 = arith.cmpf olt, %add3A_148, %lt3A_150 : vector<16xf32>
      %select_n3A_152 = arith.select %lt3A_151, %exp3A_64, %broadcast_in_dim3A_3 : vector<16xi1>, vector<16xf32>
      %ge3A_153 = arith.cmpf oge, %exp3A, %exp3A_66 : vector<16xf32>
      %select_n3A_154 = arith.select %ge3A_153, %broadcast_in_dim3A_5, %broadcast_in_dim3A_3 : vector<16xi1>, vector<16xf32>
      %add3A_155 = arith.addf %broadcast_in_dim3A_3, %select_n3A_154 : vector<16xf32>
      %ge3A_156 = arith.cmpf oge, %exp3A_62, %exp3A_66 : vector<16xf32>
      %select_n3A_157 = arith.select %ge3A_156, %broadcast_in_dim3A_5, %broadcast_in_dim3A_3 : vector<16xi1>, vector<16xf32>
      %add3A_158 = arith.addf %add3A_155, %select_n3A_157 : vector<16xf32>
      %ge3A_159 = arith.cmpf oge, %exp3A_64, %exp3A_66 : vector<16xf32>
      %select_n3A_160 = arith.select %ge3A_159, %broadcast_in_dim3A_5, %broadcast_in_dim3A_3 : vector<16xi1>, vector<16xf32>
      %add3A_161 = arith.addf %add3A_158, %select_n3A_160 : vector<16xf32>
      %gt3A_162 = arith.cmpf ogt, %exp3A_68, %exp3A_66 : vector<16xf32>
      %select_n3A_163 = arith.select %gt3A_162, %broadcast_in_dim3A_5, %broadcast_in_dim3A_3 : vector<16xi1>, vector<16xf32>
      %add3A_164 = arith.addf %add3A_161, %select_n3A_163 : vector<16xf32>
      %gt3A_165 = arith.cmpf ogt, %exp3A_70, %exp3A_66 : vector<16xf32>
      %select_n3A_166 = arith.select %gt3A_165, %broadcast_in_dim3A_5, %broadcast_in_dim3A_3 : vector<16xi1>, vector<16xf32>
      %add3A_167 = arith.addf %add3A_164, %select_n3A_166 : vector<16xf32>
      %gt3A_168 = arith.cmpf ogt, %exp3A_72, %exp3A_66 : vector<16xf32>
      %select_n3A_169 = arith.select %gt3A_168, %broadcast_in_dim3A_5, %broadcast_in_dim3A_3 : vector<16xi1>, vector<16xf32>
      %add3A_170 = arith.addf %add3A_167, %select_n3A_169 : vector<16xf32>
      %gt3A_171 = arith.cmpf ogt, %exp3A_74, %exp3A_66 : vector<16xf32>
      %select_n3A_172 = arith.select %gt3A_171, %broadcast_in_dim3A_5, %broadcast_in_dim3A_3 : vector<16xi1>, vector<16xf32>
      %add3A_173 = arith.addf %add3A_170, %select_n3A_172 : vector<16xf32>
      %lt3A_174 = arith.constant 4.500000e+00 : f32
      %lt3A_175 = vector.broadcast %lt3A_174 : f32 to vector<16xf32>
      %lt3A_176 = arith.cmpf olt, %add3A_173, %lt3A_175 : vector<16xf32>
      %select_n3A_177 = arith.select %lt3A_176, %exp3A_66, %broadcast_in_dim3A_3 : vector<16xi1>, vector<16xf32>
      %ge3A_178 = arith.cmpf oge, %exp3A, %exp3A_68 : vector<16xf32>
      %select_n3A_179 = arith.select %ge3A_178, %broadcast_in_dim3A_5, %broadcast_in_dim3A_3 : vector<16xi1>, vector<16xf32>
      %add3A_180 = arith.addf %broadcast_in_dim3A_3, %select_n3A_179 : vector<16xf32>
      %ge3A_181 = arith.cmpf oge, %exp3A_62, %exp3A_68 : vector<16xf32>
      %select_n3A_182 = arith.select %ge3A_181, %broadcast_in_dim3A_5, %broadcast_in_dim3A_3 : vector<16xi1>, vector<16xf32>
      %add3A_183 = arith.addf %add3A_180, %select_n3A_182 : vector<16xf32>
      %ge3A_184 = arith.cmpf oge, %exp3A_64, %exp3A_68 : vector<16xf32>
      %select_n3A_185 = arith.select %ge3A_184, %broadcast_in_dim3A_5, %broadcast_in_dim3A_3 : vector<16xi1>, vector<16xf32>
      %add3A_186 = arith.addf %add3A_183, %select_n3A_185 : vector<16xf32>
      %ge3A_187 = arith.cmpf oge, %exp3A_66, %exp3A_68 : vector<16xf32>
      %select_n3A_188 = arith.select %ge3A_187, %broadcast_in_dim3A_5, %broadcast_in_dim3A_3 : vector<16xi1>, vector<16xf32>
      %add3A_189 = arith.addf %add3A_186, %select_n3A_188 : vector<16xf32>
      %gt3A_190 = arith.cmpf ogt, %exp3A_70, %exp3A_68 : vector<16xf32>
      %select_n3A_191 = arith.select %gt3A_190, %broadcast_in_dim3A_5, %broadcast_in_dim3A_3 : vector<16xi1>, vector<16xf32>
      %add3A_192 = arith.addf %add3A_189, %select_n3A_191 : vector<16xf32>
      %gt3A_193 = arith.cmpf ogt, %exp3A_72, %exp3A_68 : vector<16xf32>
      %select_n3A_194 = arith.select %gt3A_193, %broadcast_in_dim3A_5, %broadcast_in_dim3A_3 : vector<16xi1>, vector<16xf32>
      %add3A_195 = arith.addf %add3A_192, %select_n3A_194 : vector<16xf32>
      %gt3A_196 = arith.cmpf ogt, %exp3A_74, %exp3A_68 : vector<16xf32>
      %select_n3A_197 = arith.select %gt3A_196, %broadcast_in_dim3A_5, %broadcast_in_dim3A_3 : vector<16xi1>, vector<16xf32>
      %add3A_198 = arith.addf %add3A_195, %select_n3A_197 : vector<16xf32>
      %lt3A_199 = arith.constant 4.500000e+00 : f32
      %lt3A_200 = vector.broadcast %lt3A_199 : f32 to vector<16xf32>
      %lt3A_201 = arith.cmpf olt, %add3A_198, %lt3A_200 : vector<16xf32>
      %select_n3A_202 = arith.select %lt3A_201, %exp3A_68, %broadcast_in_dim3A_3 : vector<16xi1>, vector<16xf32>
      %ge3A_203 = arith.cmpf oge, %exp3A, %exp3A_70 : vector<16xf32>
      %select_n3A_204 = arith.select %ge3A_203, %broadcast_in_dim3A_5, %broadcast_in_dim3A_3 : vector<16xi1>, vector<16xf32>
      %add3A_205 = arith.addf %broadcast_in_dim3A_3, %select_n3A_204 : vector<16xf32>
      %ge3A_206 = arith.cmpf oge, %exp3A_62, %exp3A_70 : vector<16xf32>
      %select_n3A_207 = arith.select %ge3A_206, %broadcast_in_dim3A_5, %broadcast_in_dim3A_3 : vector<16xi1>, vector<16xf32>
      %add3A_208 = arith.addf %add3A_205, %select_n3A_207 : vector<16xf32>
      %ge3A_209 = arith.cmpf oge, %exp3A_64, %exp3A_70 : vector<16xf32>
      %select_n3A_210 = arith.select %ge3A_209, %broadcast_in_dim3A_5, %broadcast_in_dim3A_3 : vector<16xi1>, vector<16xf32>
      %add3A_211 = arith.addf %add3A_208, %select_n3A_210 : vector<16xf32>
      %ge3A_212 = arith.cmpf oge, %exp3A_66, %exp3A_70 : vector<16xf32>
      %select_n3A_213 = arith.select %ge3A_212, %broadcast_in_dim3A_5, %broadcast_in_dim3A_3 : vector<16xi1>, vector<16xf32>
      %add3A_214 = arith.addf %add3A_211, %select_n3A_213 : vector<16xf32>
      %ge3A_215 = arith.cmpf oge, %exp3A_68, %exp3A_70 : vector<16xf32>
      %select_n3A_216 = arith.select %ge3A_215, %broadcast_in_dim3A_5, %broadcast_in_dim3A_3 : vector<16xi1>, vector<16xf32>
      %add3A_217 = arith.addf %add3A_214, %select_n3A_216 : vector<16xf32>
      %gt3A_218 = arith.cmpf ogt, %exp3A_72, %exp3A_70 : vector<16xf32>
      %select_n3A_219 = arith.select %gt3A_218, %broadcast_in_dim3A_5, %broadcast_in_dim3A_3 : vector<16xi1>, vector<16xf32>
      %add3A_220 = arith.addf %add3A_217, %select_n3A_219 : vector<16xf32>
      %gt3A_221 = arith.cmpf ogt, %exp3A_74, %exp3A_70 : vector<16xf32>
      %select_n3A_222 = arith.select %gt3A_221, %broadcast_in_dim3A_5, %broadcast_in_dim3A_3 : vector<16xi1>, vector<16xf32>
      %add3A_223 = arith.addf %add3A_220, %select_n3A_222 : vector<16xf32>
      %lt3A_224 = arith.constant 4.500000e+00 : f32
      %lt3A_225 = vector.broadcast %lt3A_224 : f32 to vector<16xf32>
      %lt3A_226 = arith.cmpf olt, %add3A_223, %lt3A_225 : vector<16xf32>
      %select_n3A_227 = arith.select %lt3A_226, %exp3A_70, %broadcast_in_dim3A_3 : vector<16xi1>, vector<16xf32>
      %ge3A_228 = arith.cmpf oge, %exp3A, %exp3A_72 : vector<16xf32>
      %select_n3A_229 = arith.select %ge3A_228, %broadcast_in_dim3A_5, %broadcast_in_dim3A_3 : vector<16xi1>, vector<16xf32>
      %add3A_230 = arith.addf %broadcast_in_dim3A_3, %select_n3A_229 : vector<16xf32>
      %ge3A_231 = arith.cmpf oge, %exp3A_62, %exp3A_72 : vector<16xf32>
      %select_n3A_232 = arith.select %ge3A_231, %broadcast_in_dim3A_5, %broadcast_in_dim3A_3 : vector<16xi1>, vector<16xf32>
      %add3A_233 = arith.addf %add3A_230, %select_n3A_232 : vector<16xf32>
      %ge3A_234 = arith.cmpf oge, %exp3A_64, %exp3A_72 : vector<16xf32>
      %select_n3A_235 = arith.select %ge3A_234, %broadcast_in_dim3A_5, %broadcast_in_dim3A_3 : vector<16xi1>, vector<16xf32>
      %add3A_236 = arith.addf %add3A_233, %select_n3A_235 : vector<16xf32>
      %ge3A_237 = arith.cmpf oge, %exp3A_66, %exp3A_72 : vector<16xf32>
      %select_n3A_238 = arith.select %ge3A_237, %broadcast_in_dim3A_5, %broadcast_in_dim3A_3 : vector<16xi1>, vector<16xf32>
      %add3A_239 = arith.addf %add3A_236, %select_n3A_238 : vector<16xf32>
      %ge3A_240 = arith.cmpf oge, %exp3A_68, %exp3A_72 : vector<16xf32>
      %select_n3A_241 = arith.select %ge3A_240, %broadcast_in_dim3A_5, %broadcast_in_dim3A_3 : vector<16xi1>, vector<16xf32>
      %add3A_242 = arith.addf %add3A_239, %select_n3A_241 : vector<16xf32>
      %ge3A_243 = arith.cmpf oge, %exp3A_70, %exp3A_72 : vector<16xf32>
      %select_n3A_244 = arith.select %ge3A_243, %broadcast_in_dim3A_5, %broadcast_in_dim3A_3 : vector<16xi1>, vector<16xf32>
      %add3A_245 = arith.addf %add3A_242, %select_n3A_244 : vector<16xf32>
      %gt3A_246 = arith.cmpf ogt, %exp3A_74, %exp3A_72 : vector<16xf32>
      %select_n3A_247 = arith.select %gt3A_246, %broadcast_in_dim3A_5, %broadcast_in_dim3A_3 : vector<16xi1>, vector<16xf32>
      %add3A_248 = arith.addf %add3A_245, %select_n3A_247 : vector<16xf32>
      %lt3A_249 = arith.constant 4.500000e+00 : f32
      %lt3A_250 = vector.broadcast %lt3A_249 : f32 to vector<16xf32>
      %lt3A_251 = arith.cmpf olt, %add3A_248, %lt3A_250 : vector<16xf32>
      %select_n3A_252 = arith.select %lt3A_251, %exp3A_72, %broadcast_in_dim3A_3 : vector<16xi1>, vector<16xf32>
      %ge3A_253 = arith.cmpf oge, %exp3A, %exp3A_74 : vector<16xf32>
      %select_n3A_254 = arith.select %ge3A_253, %broadcast_in_dim3A_5, %broadcast_in_dim3A_3 : vector<16xi1>, vector<16xf32>
      %add3A_255 = arith.addf %broadcast_in_dim3A_3, %select_n3A_254 : vector<16xf32>
      %ge3A_256 = arith.cmpf oge, %exp3A_62, %exp3A_74 : vector<16xf32>
      %select_n3A_257 = arith.select %ge3A_256, %broadcast_in_dim3A_5, %broadcast_in_dim3A_3 : vector<16xi1>, vector<16xf32>
      %add3A_258 = arith.addf %add3A_255, %select_n3A_257 : vector<16xf32>
      %ge3A_259 = arith.cmpf oge, %exp3A_64, %exp3A_74 : vector<16xf32>
      %select_n3A_260 = arith.select %ge3A_259, %broadcast_in_dim3A_5, %broadcast_in_dim3A_3 : vector<16xi1>, vector<16xf32>
      %add3A_261 = arith.addf %add3A_258, %select_n3A_260 : vector<16xf32>
      %ge3A_262 = arith.cmpf oge, %exp3A_66, %exp3A_74 : vector<16xf32>
      %select_n3A_263 = arith.select %ge3A_262, %broadcast_in_dim3A_5, %broadcast_in_dim3A_3 : vector<16xi1>, vector<16xf32>
      %add3A_264 = arith.addf %add3A_261, %select_n3A_263 : vector<16xf32>
      %ge3A_265 = arith.cmpf oge, %exp3A_68, %exp3A_74 : vector<16xf32>
      %select_n3A_266 = arith.select %ge3A_265, %broadcast_in_dim3A_5, %broadcast_in_dim3A_3 : vector<16xi1>, vector<16xf32>
      %add3A_267 = arith.addf %add3A_264, %select_n3A_266 : vector<16xf32>
      %ge3A_268 = arith.cmpf oge, %exp3A_70, %exp3A_74 : vector<16xf32>
      %select_n3A_269 = arith.select %ge3A_268, %broadcast_in_dim3A_5, %broadcast_in_dim3A_3 : vector<16xi1>, vector<16xf32>
      %add3A_270 = arith.addf %add3A_267, %select_n3A_269 : vector<16xf32>
      %ge3A_271 = arith.cmpf oge, %exp3A_72, %exp3A_74 : vector<16xf32>
      %select_n3A_272 = arith.select %ge3A_271, %broadcast_in_dim3A_5, %broadcast_in_dim3A_3 : vector<16xi1>, vector<16xf32>
      %add3A_273 = arith.addf %add3A_270, %select_n3A_272 : vector<16xf32>
      %lt3A_274 = arith.constant 4.500000e+00 : f32
      %lt3A_275 = vector.broadcast %lt3A_274 : f32 to vector<16xf32>
      %lt3A_276 = arith.cmpf olt, %add3A_273, %lt3A_275 : vector<16xf32>
      %select_n3A_277 = arith.select %lt3A_276, %exp3A_74, %broadcast_in_dim3A_3 : vector<16xi1>, vector<16xf32>
      %add3A_278 = arith.addf %select_n3A_103, %select_n3A_127 : vector<16xf32>
      %add3A_279 = arith.addf %add3A_278, %select_n3A_152 : vector<16xf32>
      %add3A_280 = arith.addf %add3A_279, %select_n3A_177 : vector<16xf32>
      %add3A_281 = arith.addf %add3A_280, %select_n3A_202 : vector<16xf32>
      %add3A_282 = arith.addf %add3A_281, %select_n3A_227 : vector<16xf32>
      %add3A_283 = arith.addf %add3A_282, %select_n3A_252 : vector<16xf32>
      %add3A_284 = arith.addf %add3A_283, %select_n3A_277 : vector<16xf32>
      %mul3A_285 = arith.constant 9.99999993E-9 : f32
      %mul3A_286 = vector.broadcast %mul3A_285 : f32 to vector<16xf32>
      %mul3A_287 = arith.mulf %mul3A_286, %add3A_81 : vector<16xf32>
      %add3A_288 = arith.addf %add3A_284, %mul3A_287 : vector<16xf32>
      %div3A = arith.constant 1.000000e+00 : f32
      %div3A_289 = vector.broadcast %div3A : f32 to vector<16xf32>
      %div3A_290 = arith.divf %div3A_289, %add3A_288 : vector<16xf32>
      %mul3A_291 = arith.mulf %select_n3A_103, %div3A_290 : vector<16xf32>
      %swap3A = arith.constant 0 : i32
      %swap3A_292 = arith.index_cast %swap3A : i32 to index
      %swap3A_293 = arith.index_cast %mul3A_15 : i32 to index
      %swap3A_294 = tpu.vector_load %arg5[%swap3A_292, %swap3A_293] {strides = array<i32>} : memref<8x1024xf32, #tpu.memory_space<vmem>>, vector<1x16xf32>,
      %swap3A_295 = vector.shape_cast %swap3A_294 : vector<1x16xf32> to vector<16xf32>
      %swap3A_296 = vector.shape_cast %mul3A_291 : vector<16xf32> to vector<1x16xf32>
      tpu.vector_store %arg5[%swap3A_292, %swap3A_293], %swap3A_296 {strides = array<i32>} : memref<8x1024xf32, #tpu.memory_space<vmem>>, vector<1x16xf32>,
      %mul3A_297 = arith.mulf %select_n3A_127, %div3A_290 : vector<16xf32>
      %swap3A_298 = arith.constant 1 : i32
      %swap3A_299 = arith.index_cast %swap3A_298 : i32 to index
      %swap3A_300 = arith.index_cast %mul3A_15 : i32 to index
      %swap3A_301 = tpu.vector_load %arg5[%swap3A_299, %swap3A_300] {strides = array<i32>} : memref<8x1024xf32, #tpu.memory_space<vmem>>, vector<1x16xf32>,
      %swap3A_302 = vector.shape_cast %swap3A_301 : vector<1x16xf32> to vector<16xf32>
      %swap3A_303 = vector.shape_cast %mul3A_297 : vector<16xf32> to vector<1x16xf32>
      tpu.vector_store %arg5[%swap3A_299, %swap3A_300], %swap3A_303 {strides = array<i32>} : memref<8x1024xf32, #tpu.memory_space<vmem>>, vector<1x16xf32>,
      %mul3A_304 = arith.mulf %select_n3A_152, %div3A_290 : vector<16xf32>
      %swap3A_305 = arith.constant 2 : i32
      %swap3A_306 = arith.index_cast %swap3A_305 : i32 to index
      %swap3A_307 = arith.index_cast %mul3A_15 : i32 to index
      %swap3A_308 = tpu.vector_load %arg5[%swap3A_306, %swap3A_307] {strides = array<i32>} : memref<8x1024xf32, #tpu.memory_space<vmem>>, vector<1x16xf32>,
      %swap3A_309 = vector.shape_cast %swap3A_308 : vector<1x16xf32> to vector<16xf32>
      %swap3A_310 = vector.shape_cast %mul3A_304 : vector<16xf32> to vector<1x16xf32>
      tpu.vector_store %arg5[%swap3A_306, %swap3A_307], %swap3A_310 {strides = array<i32>} : memref<8x1024xf32, #tpu.memory_space<vmem>>, vector<1x16xf32>,
      %mul3A_311 = arith.mulf %select_n3A_177, %div3A_290 : vector<16xf32>
      %swap3A_312 = arith.constant 3 : i32
      %swap3A_313 = arith.index_cast %swap3A_312 : i32 to index
      %swap3A_314 = arith.index_cast %mul3A_15 : i32 to index
      %swap3A_315 = tpu.vector_load %arg5[%swap3A_313, %swap3A_314] {strides = array<i32>} : memref<8x1024xf32, #tpu.memory_space<vmem>>, vector<1x16xf32>,
      %swap3A_316 = vector.shape_cast %swap3A_315 : vector<1x16xf32> to vector<16xf32>
      %swap3A_317 = vector.shape_cast %mul3A_311 : vector<16xf32> to vector<1x16xf32>
      tpu.vector_store %arg5[%swap3A_313, %swap3A_314], %swap3A_317 {strides = array<i32>} : memref<8x1024xf32, #tpu.memory_space<vmem>>, vector<1x16xf32>,
      %mul3A_318 = arith.mulf %select_n3A_202, %div3A_290 : vector<16xf32>
      %swap3A_319 = arith.constant 4 : i32
      %swap3A_320 = arith.index_cast %swap3A_319 : i32 to index
      %swap3A_321 = arith.index_cast %mul3A_15 : i32 to index
      %swap3A_322 = tpu.vector_load %arg5[%swap3A_320, %swap3A_321] {strides = array<i32>} : memref<8x1024xf32, #tpu.memory_space<vmem>>, vector<1x16xf32>,
      %swap3A_323 = vector.shape_cast %swap3A_322 : vector<1x16xf32> to vector<16xf32>
      %swap3A_324 = vector.shape_cast %mul3A_318 : vector<16xf32> to vector<1x16xf32>
      tpu.vector_store %arg5[%swap3A_320, %swap3A_321], %swap3A_324 {strides = array<i32>} : memref<8x1024xf32, #tpu.memory_space<vmem>>, vector<1x16xf32>,
      %mul3A_325 = arith.mulf %select_n3A_227, %div3A_290 : vector<16xf32>
      %swap3A_326 = arith.constant 5 : i32
      %swap3A_327 = arith.index_cast %swap3A_326 : i32 to index
      %swap3A_328 = arith.index_cast %mul3A_15 : i32 to index
      %swap3A_329 = tpu.vector_load %arg5[%swap3A_327, %swap3A_328] {strides = array<i32>} : memref<8x1024xf32, #tpu.memory_space<vmem>>, vector<1x16xf32>,
      %swap3A_330 = vector.shape_cast %swap3A_329 : vector<1x16xf32> to vector<16xf32>
      %swap3A_331 = vector.shape_cast %mul3A_325 : vector<16xf32> to vector<1x16xf32>
      tpu.vector_store %arg5[%swap3A_327, %swap3A_328], %swap3A_331 {strides = array<i32>} : memref<8x1024xf32, #tpu.memory_space<vmem>>, vector<1x16xf32>,
      %mul3A_332 = arith.mulf %select_n3A_252, %div3A_290 : vector<16xf32>
      %swap3A_333 = arith.constant 6 : i32
      %swap3A_334 = arith.index_cast %swap3A_333 : i32 to index
      %swap3A_335 = arith.index_cast %mul3A_15 : i32 to index
      %swap3A_336 = tpu.vector_load %arg5[%swap3A_334, %swap3A_335] {strides = array<i32>} : memref<8x1024xf32, #tpu.memory_space<vmem>>, vector<1x16xf32>,
      %swap3A_337 = vector.shape_cast %swap3A_336 : vector<1x16xf32> to vector<16xf32>
      %swap3A_338 = vector.shape_cast %mul3A_332 : vector<16xf32> to vector<1x16xf32>
      tpu.vector_store %arg5[%swap3A_334, %swap3A_335], %swap3A_338 {strides = array<i32>} : memref<8x1024xf32, #tpu.memory_space<vmem>>, vector<1x16xf32>,
      %mul3A_339 = arith.mulf %select_n3A_277, %div3A_290 : vector<16xf32>
      %swap3A_340 = arith.constant 7 : i32
      %swap3A_341 = arith.index_cast %swap3A_340 : i32 to index
      %swap3A_342 = arith.index_cast %mul3A_15 : i32 to index
      %swap3A_343 = tpu.vector_load %arg5[%swap3A_341, %swap3A_342] {strides = array<i32>} : memref<8x1024xf32, #tpu.memory_space<vmem>>, vector<1x16xf32>,
      %swap3A_344 = vector.shape_cast %swap3A_343 : vector<1x16xf32> to vector<16xf32>
      %swap3A_345 = vector.shape_cast %mul3A_339 : vector<16xf32> to vector<1x16xf32>
      tpu.vector_store %arg5[%swap3A_341, %swap3A_342], %swap3A_345 {strides = array<i32>} : memref<8x1024xf32, #tpu.memory_space<vmem>>, vector<1x16xf32>,
      %mul3A_346 = arith.constant 2 : i32
      %mul3A_347 = arith.muli %scan3A_11, %mul3A_346 : i32
      %mul3A_348 = arith.constant 16 : i32
      %mul3A_349 = arith.muli %mul3A_347, %mul3A_348 : i32
      %add3A_350 = arith.constant 16 : i32
      %add3A_351 = arith.addi %mul3A_349, %add3A_350 : i32
      %get3A_352 = arith.constant 0 : i32
      %get3A_353 = arith.index_cast %get3A_352 : i32 to index
      %get3A_354 = arith.index_cast %add3A_351 : i32 to index
      %get3A_355 = tpu.vector_load %arg4[%get3A_353, %get3A_354] {strides = array<i32>} : memref<8x1024xf32, #tpu.memory_space<vmem>>, vector<1x16xf32>,
      %get3A_356 = vector.shape_cast %get3A_355 : vector<1x16xf32> to vector<16xf32>
      %get3A_357 = arith.constant 1 : i32
      %get3A_358 = arith.index_cast %get3A_357 : i32 to index
      %get3A_359 = arith.index_cast %add3A_351 : i32 to index
      %get3A_360 = tpu.vector_load %arg4[%get3A_358, %get3A_359] {strides = array<i32>} : memref<8x1024xf32, #tpu.memory_space<vmem>>, vector<1x16xf32>,
      %get3A_361 = vector.shape_cast %get3A_360 : vector<1x16xf32> to vector<16xf32>
      %get3A_362 = arith.constant 2 : i32
      %get3A_363 = arith.index_cast %get3A_362 : i32 to index
      %get3A_364 = arith.index_cast %add3A_351 : i32 to index
      %get3A_365 = tpu.vector_load %arg4[%get3A_363, %get3A_364] {strides = array<i32>} : memref<8x1024xf32, #tpu.memory_space<vmem>>, vector<1x16xf32>,
      %get3A_366 = vector.shape_cast %get3A_365 : vector<1x16xf32> to vector<16xf32>
      %get3A_367 = arith.constant 3 : i32
      %get3A_368 = arith.index_cast %get3A_367 : i32 to index
      %get3A_369 = arith.index_cast %add3A_351 : i32 to index
      %get3A_370 = tpu.vector_load %arg4[%get3A_368, %get3A_369] {strides = array<i32>} : memref<8x1024xf32, #tpu.memory_space<vmem>>, vector<1x16xf32>,
      %get3A_371 = vector.shape_cast %get3A_370 : vector<1x16xf32> to vector<16xf32>
      %get3A_372 = arith.constant 4 : i32
      %get3A_373 = arith.index_cast %get3A_372 : i32 to index
      %get3A_374 = arith.index_cast %add3A_351 : i32 to index
      %get3A_375 = tpu.vector_load %arg4[%get3A_373, %get3A_374] {strides = array<i32>} : memref<8x1024xf32, #tpu.memory_space<vmem>>, vector<1x16xf32>,
      %get3A_376 = vector.shape_cast %get3A_375 : vector<1x16xf32> to vector<16xf32>
      %get3A_377 = arith.constant 5 : i32
      %get3A_378 = arith.index_cast %get3A_377 : i32 to index
      %get3A_379 = arith.index_cast %add3A_351 : i32 to index
      %get3A_380 = tpu.vector_load %arg4[%get3A_378, %get3A_379] {strides = array<i32>} : memref<8x1024xf32, #tpu.memory_space<vmem>>, vector<1x16xf32>,
      %get3A_381 = vector.shape_cast %get3A_380 : vector<1x16xf32> to vector<16xf32>
      %get3A_382 = arith.constant 6 : i32
      %get3A_383 = arith.index_cast %get3A_382 : i32 to index
      %get3A_384 = arith.index_cast %add3A_351 : i32 to index
      %get3A_385 = tpu.vector_load %arg4[%get3A_383, %get3A_384] {strides = array<i32>} : memref<8x1024xf32, #tpu.memory_space<vmem>>, vector<1x16xf32>,
      %get3A_386 = vector.shape_cast %get3A_385 : vector<1x16xf32> to vector<16xf32>
      %get3A_387 = arith.constant 7 : i32
      %get3A_388 = arith.index_cast %get3A_387 : i32 to index
      %get3A_389 = arith.index_cast %add3A_351 : i32 to index
      %get3A_390 = tpu.vector_load %arg4[%get3A_388, %get3A_389] {strides = array<i32>} : memref<8x1024xf32, #tpu.memory_space<vmem>>, vector<1x16xf32>,
      %get3A_391 = vector.shape_cast %get3A_390 : vector<1x16xf32> to vector<16xf32>
      %max3A_392 = arith.maximumf %get3A_356, %get3A_361 : vector<16xf32>
      %max3A_393 = arith.maximumf %max3A_392, %get3A_366 : vector<16xf32>
      %max3A_394 = arith.maximumf %max3A_393, %get3A_371 : vector<16xf32>
      %max3A_395 = arith.maximumf %max3A_394, %get3A_376 : vector<16xf32>
      %max3A_396 = arith.maximumf %max3A_395, %get3A_381 : vector<16xf32>
      %max3A_397 = arith.maximumf %max3A_396, %get3A_386 : vector<16xf32>
      %max3A_398 = arith.maximumf %max3A_397, %get3A_391 : vector<16xf32>
      %sub3A_399 = arith.subf %get3A_356, %max3A_398 : vector<16xf32>
      %exp3A_400 = math.exp %sub3A_399 : vector<16xf32>
      %sub3A_401 = arith.subf %get3A_361, %max3A_398 : vector<16xf32>
      %exp3A_402 = math.exp %sub3A_401 : vector<16xf32>
      %sub3A_403 = arith.subf %get3A_366, %max3A_398 : vector<16xf32>
      %exp3A_404 = math.exp %sub3A_403 : vector<16xf32>
      %sub3A_405 = arith.subf %get3A_371, %max3A_398 : vector<16xf32>
      %exp3A_406 = math.exp %sub3A_405 : vector<16xf32>
      %sub3A_407 = arith.subf %get3A_376, %max3A_398 : vector<16xf32>
      %exp3A_408 = math.exp %sub3A_407 : vector<16xf32>
      %sub3A_409 = arith.subf %get3A_381, %max3A_398 : vector<16xf32>
      %exp3A_410 = math.exp %sub3A_409 : vector<16xf32>
      %sub3A_411 = arith.subf %get3A_386, %max3A_398 : vector<16xf32>
      %exp3A_412 = math.exp %sub3A_411 : vector<16xf32>
      %sub3A_413 = arith.subf %get3A_391, %max3A_398 : vector<16xf32>
      %exp3A_414 = math.exp %sub3A_413 : vector<16xf32>
      %add3A_415 = arith.addf %exp3A_400, %exp3A_402 : vector<16xf32>
      %add3A_416 = arith.addf %add3A_415, %exp3A_404 : vector<16xf32>
      %add3A_417 = arith.addf %add3A_416, %exp3A_406 : vector<16xf32>
      %add3A_418 = arith.addf %add3A_417, %exp3A_408 : vector<16xf32>
      %add3A_419 = arith.addf %add3A_418, %exp3A_410 : vector<16xf32>
      %add3A_420 = arith.addf %add3A_419, %exp3A_412 : vector<16xf32>
      %add3A_421 = arith.addf %add3A_420, %exp3A_414 : vector<16xf32>
      %gt3A_422 = arith.cmpf ogt, %exp3A_402, %exp3A_400 : vector<16xf32>
      %select_n3A_423 = arith.select %gt3A_422, %broadcast_in_dim3A_5, %broadcast_in_dim3A_3 : vector<16xi1>, vector<16xf32>
      %add3A_424 = arith.addf %broadcast_in_dim3A_3, %select_n3A_423 : vector<16xf32>
      %gt3A_425 = arith.cmpf ogt, %exp3A_404, %exp3A_400 : vector<16xf32>
      %select_n3A_426 = arith.select %gt3A_425, %broadcast_in_dim3A_5, %broadcast_in_dim3A_3 : vector<16xi1>, vector<16xf32>
      %add3A_427 = arith.addf %add3A_424, %select_n3A_426 : vector<16xf32>
      %gt3A_428 = arith.cmpf ogt, %exp3A_406, %exp3A_400 : vector<16xf32>
      %select_n3A_429 = arith.select %gt3A_428, %broadcast_in_dim3A_5, %broadcast_in_dim3A_3 : vector<16xi1>, vector<16xf32>
      %add3A_430 = arith.addf %add3A_427, %select_n3A_429 : vector<16xf32>
      %gt3A_431 = arith.cmpf ogt, %exp3A_408, %exp3A_400 : vector<16xf32>
      %select_n3A_432 = arith.select %gt3A_431, %broadcast_in_dim3A_5, %broadcast_in_dim3A_3 : vector<16xi1>, vector<16xf32>
      %add3A_433 = arith.addf %add3A_430, %select_n3A_432 : vector<16xf32>
      %gt3A_434 = arith.cmpf ogt, %exp3A_410, %exp3A_400 : vector<16xf32>
      %select_n3A_435 = arith.select %gt3A_434, %broadcast_in_dim3A_5, %broadcast_in_dim3A_3 : vector<16xi1>, vector<16xf32>
      %add3A_436 = arith.addf %add3A_433, %select_n3A_435 : vector<16xf32>
      %gt3A_437 = arith.cmpf ogt, %exp3A_412, %exp3A_400 : vector<16xf32>
      %select_n3A_438 = arith.select %gt3A_437, %broadcast_in_dim3A_5, %broadcast_in_dim3A_3 : vector<16xi1>, vector<16xf32>
      %add3A_439 = arith.addf %add3A_436, %select_n3A_438 : vector<16xf32>
      %gt3A_440 = arith.cmpf ogt, %exp3A_414, %exp3A_400 : vector<16xf32>
      %select_n3A_441 = arith.select %gt3A_440, %broadcast_in_dim3A_5, %broadcast_in_dim3A_3 : vector<16xi1>, vector<16xf32>
      %add3A_442 = arith.addf %add3A_439, %select_n3A_441 : vector<16xf32>
      %lt3A_443 = arith.constant 4.500000e+00 : f32
      %lt3A_444 = vector.broadcast %lt3A_443 : f32 to vector<16xf32>
      %lt3A_445 = arith.cmpf olt, %add3A_442, %lt3A_444 : vector<16xf32>
      %select_n3A_446 = arith.select %lt3A_445, %exp3A_400, %broadcast_in_dim3A_3 : vector<16xi1>, vector<16xf32>
      %ge3A_447 = arith.cmpf oge, %exp3A_400, %exp3A_402 : vector<16xf32>
      %select_n3A_448 = arith.select %ge3A_447, %broadcast_in_dim3A_5, %broadcast_in_dim3A_3 : vector<16xi1>, vector<16xf32>
      %add3A_449 = arith.addf %broadcast_in_dim3A_3, %select_n3A_448 : vector<16xf32>
      %gt3A_450 = arith.cmpf ogt, %exp3A_404, %exp3A_402 : vector<16xf32>
      %select_n3A_451 = arith.select %gt3A_450, %broadcast_in_dim3A_5, %broadcast_in_dim3A_3 : vector<16xi1>, vector<16xf32>
      %add3A_452 = arith.addf %add3A_449, %select_n3A_451 : vector<16xf32>
      %gt3A_453 = arith.cmpf ogt, %exp3A_406, %exp3A_402 : vector<16xf32>
      %select_n3A_454 = arith.select %gt3A_453, %broadcast_in_dim3A_5, %broadcast_in_dim3A_3 : vector<16xi1>, vector<16xf32>
      %add3A_455 = arith.addf %add3A_452, %select_n3A_454 : vector<16xf32>
      %gt3A_456 = arith.cmpf ogt, %exp3A_408, %exp3A_402 : vector<16xf32>
      %select_n3A_457 = arith.select %gt3A_456, %broadcast_in_dim3A_5, %broadcast_in_dim3A_3 : vector<16xi1>, vector<16xf32>
      %add3A_458 = arith.addf %add3A_455, %select_n3A_457 : vector<16xf32>
      %gt3A_459 = arith.cmpf ogt, %exp3A_410, %exp3A_402 : vector<16xf32>
      %select_n3A_460 = arith.select %gt3A_459, %broadcast_in_dim3A_5, %broadcast_in_dim3A_3 : vector<16xi1>, vector<16xf32>
      %add3A_461 = arith.addf %add3A_458, %select_n3A_460 : vector<16xf32>
      %gt3A_462 = arith.cmpf ogt, %exp3A_412, %exp3A_402 : vector<16xf32>
      %select_n3A_463 = arith.select %gt3A_462, %broadcast_in_dim3A_5, %broadcast_in_dim3A_3 : vector<16xi1>, vector<16xf32>
      %add3A_464 = arith.addf %add3A_461, %select_n3A_463 : vector<16xf32>
      %gt3A_465 = arith.cmpf ogt, %exp3A_414, %exp3A_402 : vector<16xf32>
      %select_n3A_466 = arith.select %gt3A_465, %broadcast_in_dim3A_5, %broadcast_in_dim3A_3 : vector<16xi1>, vector<16xf32>
      %add3A_467 = arith.addf %add3A_464, %select_n3A_466 : vector<16xf32>
      %lt3A_468 = arith.constant 4.500000e+00 : f32
      %lt3A_469 = vector.broadcast %lt3A_468 : f32 to vector<16xf32>
      %lt3A_470 = arith.cmpf olt, %add3A_467, %lt3A_469 : vector<16xf32>
      %select_n3A_471 = arith.select %lt3A_470, %exp3A_402, %broadcast_in_dim3A_3 : vector<16xi1>, vector<16xf32>
      %ge3A_472 = arith.cmpf oge, %exp3A_400, %exp3A_404 : vector<16xf32>
      %select_n3A_473 = arith.select %ge3A_472, %broadcast_in_dim3A_5, %broadcast_in_dim3A_3 : vector<16xi1>, vector<16xf32>
      %add3A_474 = arith.addf %broadcast_in_dim3A_3, %select_n3A_473 : vector<16xf32>
      %ge3A_475 = arith.cmpf oge, %exp3A_402, %exp3A_404 : vector<16xf32>
      %select_n3A_476 = arith.select %ge3A_475, %broadcast_in_dim3A_5, %broadcast_in_dim3A_3 : vector<16xi1>, vector<16xf32>
      %add3A_477 = arith.addf %add3A_474, %select_n3A_476 : vector<16xf32>
      %gt3A_478 = arith.cmpf ogt, %exp3A_406, %exp3A_404 : vector<16xf32>
      %select_n3A_479 = arith.select %gt3A_478, %broadcast_in_dim3A_5, %broadcast_in_dim3A_3 : vector<16xi1>, vector<16xf32>
      %add3A_480 = arith.addf %add3A_477, %select_n3A_479 : vector<16xf32>
      %gt3A_481 = arith.cmpf ogt, %exp3A_408, %exp3A_404 : vector<16xf32>
      %select_n3A_482 = arith.select %gt3A_481, %broadcast_in_dim3A_5, %broadcast_in_dim3A_3 : vector<16xi1>, vector<16xf32>
      %add3A_483 = arith.addf %add3A_480, %select_n3A_482 : vector<16xf32>
      %gt3A_484 = arith.cmpf ogt, %exp3A_410, %exp3A_404 : vector<16xf32>
      %select_n3A_485 = arith.select %gt3A_484, %broadcast_in_dim3A_5, %broadcast_in_dim3A_3 : vector<16xi1>, vector<16xf32>
      %add3A_486 = arith.addf %add3A_483, %select_n3A_485 : vector<16xf32>
      %gt3A_487 = arith.cmpf ogt, %exp3A_412, %exp3A_404 : vector<16xf32>
      %select_n3A_488 = arith.select %gt3A_487, %broadcast_in_dim3A_5, %broadcast_in_dim3A_3 : vector<16xi1>, vector<16xf32>
      %add3A_489 = arith.addf %add3A_486, %select_n3A_488 : vector<16xf32>
      %gt3A_490 = arith.cmpf ogt, %exp3A_414, %exp3A_404 : vector<16xf32>
      %select_n3A_491 = arith.select %gt3A_490, %broadcast_in_dim3A_5, %broadcast_in_dim3A_3 : vector<16xi1>, vector<16xf32>
      %add3A_492 = arith.addf %add3A_489, %select_n3A_491 : vector<16xf32>
      %lt3A_493 = arith.constant 4.500000e+00 : f32
      %lt3A_494 = vector.broadcast %lt3A_493 : f32 to vector<16xf32>
      %lt3A_495 = arith.cmpf olt, %add3A_492, %lt3A_494 : vector<16xf32>
      %select_n3A_496 = arith.select %lt3A_495, %exp3A_404, %broadcast_in_dim3A_3 : vector<16xi1>, vector<16xf32>
      %ge3A_497 = arith.cmpf oge, %exp3A_400, %exp3A_406 : vector<16xf32>
      %select_n3A_498 = arith.select %ge3A_497, %broadcast_in_dim3A_5, %broadcast_in_dim3A_3 : vector<16xi1>, vector<16xf32>
      %add3A_499 = arith.addf %broadcast_in_dim3A_3, %select_n3A_498 : vector<16xf32>
      %ge3A_500 = arith.cmpf oge, %exp3A_402, %exp3A_406 : vector<16xf32>
      %select_n3A_501 = arith.select %ge3A_500, %broadcast_in_dim3A_5, %broadcast_in_dim3A_3 : vector<16xi1>, vector<16xf32>
      %add3A_502 = arith.addf %add3A_499, %select_n3A_501 : vector<16xf32>
      %ge3A_503 = arith.cmpf oge, %exp3A_404, %exp3A_406 : vector<16xf32>
      %select_n3A_504 = arith.select %ge3A_503, %broadcast_in_dim3A_5, %broadcast_in_dim3A_3 : vector<16xi1>, vector<16xf32>
      %add3A_505 = arith.addf %add3A_502, %select_n3A_504 : vector<16xf32>
      %gt3A_506 = arith.cmpf ogt, %exp3A_408, %exp3A_406 : vector<16xf32>
      %select_n3A_507 = arith.select %gt3A_506, %broadcast_in_dim3A_5, %broadcast_in_dim3A_3 : vector<16xi1>, vector<16xf32>
      %add3A_508 = arith.addf %add3A_505, %select_n3A_507 : vector<16xf32>
      %gt3A_509 = arith.cmpf ogt, %exp3A_410, %exp3A_406 : vector<16xf32>
      %select_n3A_510 = arith.select %gt3A_509, %broadcast_in_dim3A_5, %broadcast_in_dim3A_3 : vector<16xi1>, vector<16xf32>
      %add3A_511 = arith.addf %add3A_508, %select_n3A_510 : vector<16xf32>
      %gt3A_512 = arith.cmpf ogt, %exp3A_412, %exp3A_406 : vector<16xf32>
      %select_n3A_513 = arith.select %gt3A_512, %broadcast_in_dim3A_5, %broadcast_in_dim3A_3 : vector<16xi1>, vector<16xf32>
      %add3A_514 = arith.addf %add3A_511, %select_n3A_513 : vector<16xf32>
      %gt3A_515 = arith.cmpf ogt, %exp3A_414, %exp3A_406 : vector<16xf32>
      %select_n3A_516 = arith.select %gt3A_515, %broadcast_in_dim3A_5, %broadcast_in_dim3A_3 : vector<16xi1>, vector<16xf32>
      %add3A_517 = arith.addf %add3A_514, %select_n3A_516 : vector<16xf32>
      %lt3A_518 = arith.constant 4.500000e+00 : f32
      %lt3A_519 = vector.broadcast %lt3A_518 : f32 to vector<16xf32>
      %lt3A_520 = arith.cmpf olt, %add3A_517, %lt3A_519 : vector<16xf32>
      %select_n3A_521 = arith.select %lt3A_520, %exp3A_406, %broadcast_in_dim3A_3 : vector<16xi1>, vector<16xf32>
      %ge3A_522 = arith.cmpf oge, %exp3A_400, %exp3A_408 : vector<16xf32>
      %select_n3A_523 = arith.select %ge3A_522, %broadcast_in_dim3A_5, %broadcast_in_dim3A_3 : vector<16xi1>, vector<16xf32>
      %add3A_524 = arith.addf %broadcast_in_dim3A_3, %select_n3A_523 : vector<16xf32>
      %ge3A_525 = arith.cmpf oge, %exp3A_402, %exp3A_408 : vector<16xf32>
      %select_n3A_526 = arith.select %ge3A_525, %broadcast_in_dim3A_5, %broadcast_in_dim3A_3 : vector<16xi1>, vector<16xf32>
      %add3A_527 = arith.addf %add3A_524, %select_n3A_526 : vector<16xf32>
      %ge3A_528 = arith.cmpf oge, %exp3A_404, %exp3A_408 : vector<16xf32>
      %select_n3A_529 = arith.select %ge3A_528, %broadcast_in_dim3A_5, %broadcast_in_dim3A_3 : vector<16xi1>, vector<16xf32>
      %add3A_530 = arith.addf %add3A_527, %select_n3A_529 : vector<16xf32>
      %ge3A_531 = arith.cmpf oge, %exp3A_406, %exp3A_408 : vector<16xf32>
      %select_n3A_532 = arith.select %ge3A_531, %broadcast_in_dim3A_5, %broadcast_in_dim3A_3 : vector<16xi1>, vector<16xf32>
      %add3A_533 = arith.addf %add3A_530, %select_n3A_532 : vector<16xf32>
      %gt3A_534 = arith.cmpf ogt, %exp3A_410, %exp3A_408 : vector<16xf32>
      %select_n3A_535 = arith.select %gt3A_534, %broadcast_in_dim3A_5, %broadcast_in_dim3A_3 : vector<16xi1>, vector<16xf32>
      %add3A_536 = arith.addf %add3A_533, %select_n3A_535 : vector<16xf32>
      %gt3A_537 = arith.cmpf ogt, %exp3A_412, %exp3A_408 : vector<16xf32>
      %select_n3A_538 = arith.select %gt3A_537, %broadcast_in_dim3A_5, %broadcast_in_dim3A_3 : vector<16xi1>, vector<16xf32>
      %add3A_539 = arith.addf %add3A_536, %select_n3A_538 : vector<16xf32>
      %gt3A_540 = arith.cmpf ogt, %exp3A_414, %exp3A_408 : vector<16xf32>
      %select_n3A_541 = arith.select %gt3A_540, %broadcast_in_dim3A_5, %broadcast_in_dim3A_3 : vector<16xi1>, vector<16xf32>
      %add3A_542 = arith.addf %add3A_539, %select_n3A_541 : vector<16xf32>
      %lt3A_543 = arith.constant 4.500000e+00 : f32
      %lt3A_544 = vector.broadcast %lt3A_543 : f32 to vector<16xf32>
      %lt3A_545 = arith.cmpf olt, %add3A_542, %lt3A_544 : vector<16xf32>
      %select_n3A_546 = arith.select %lt3A_545, %exp3A_408, %broadcast_in_dim3A_3 : vector<16xi1>, vector<16xf32>
      %ge3A_547 = arith.cmpf oge, %exp3A_400, %exp3A_410 : vector<16xf32>
      %select_n3A_548 = arith.select %ge3A_547, %broadcast_in_dim3A_5, %broadcast_in_dim3A_3 : vector<16xi1>, vector<16xf32>
      %add3A_549 = arith.addf %broadcast_in_dim3A_3, %select_n3A_548 : vector<16xf32>
      %ge3A_550 = arith.cmpf oge, %exp3A_402, %exp3A_410 : vector<16xf32>
      %select_n3A_551 = arith.select %ge3A_550, %broadcast_in_dim3A_5, %broadcast_in_dim3A_3 : vector<16xi1>, vector<16xf32>
      %add3A_552 = arith.addf %add3A_549, %select_n3A_551 : vector<16xf32>
      %ge3A_553 = arith.cmpf oge, %exp3A_404, %exp3A_410 : vector<16xf32>
      %select_n3A_554 = arith.select %ge3A_553, %broadcast_in_dim3A_5, %broadcast_in_dim3A_3 : vector<16xi1>, vector<16xf32>
      %add3A_555 = arith.addf %add3A_552, %select_n3A_554 : vector<16xf32>
      %ge3A_556 = arith.cmpf oge, %exp3A_406, %exp3A_410 : vector<16xf32>
      %select_n3A_557 = arith.select %ge3A_556, %broadcast_in_dim3A_5, %broadcast_in_dim3A_3 : vector<16xi1>, vector<16xf32>
      %add3A_558 = arith.addf %add3A_555, %select_n3A_557 : vector<16xf32>
      %ge3A_559 = arith.cmpf oge, %exp3A_408, %exp3A_410 : vector<16xf32>
      %select_n3A_560 = arith.select %ge3A_559, %broadcast_in_dim3A_5, %broadcast_in_dim3A_3 : vector<16xi1>, vector<16xf32>
      %add3A_561 = arith.addf %add3A_558, %select_n3A_560 : vector<16xf32>
      %gt3A_562 = arith.cmpf ogt, %exp3A_412, %exp3A_410 : vector<16xf32>
      %select_n3A_563 = arith.select %gt3A_562, %broadcast_in_dim3A_5, %broadcast_in_dim3A_3 : vector<16xi1>, vector<16xf32>
      %add3A_564 = arith.addf %add3A_561, %select_n3A_563 : vector<16xf32>
      %gt3A_565 = arith.cmpf ogt, %exp3A_414, %exp3A_410 : vector<16xf32>
      %select_n3A_566 = arith.select %gt3A_565, %broadcast_in_dim3A_5, %broadcast_in_dim3A_3 : vector<16xi1>, vector<16xf32>
      %add3A_567 = arith.addf %add3A_564, %select_n3A_566 : vector<16xf32>
      %lt3A_568 = arith.constant 4.500000e+00 : f32
      %lt3A_569 = vector.broadcast %lt3A_568 : f32 to vector<16xf32>
      %lt3A_570 = arith.cmpf olt, %add3A_567, %lt3A_569 : vector<16xf32>
      %select_n3A_571 = arith.select %lt3A_570, %exp3A_410, %broadcast_in_dim3A_3 : vector<16xi1>, vector<16xf32>
      %ge3A_572 = arith.cmpf oge, %exp3A_400, %exp3A_412 : vector<16xf32>
      %select_n3A_573 = arith.select %ge3A_572, %broadcast_in_dim3A_5, %broadcast_in_dim3A_3 : vector<16xi1>, vector<16xf32>
      %add3A_574 = arith.addf %broadcast_in_dim3A_3, %select_n3A_573 : vector<16xf32>
      %ge3A_575 = arith.cmpf oge, %exp3A_402, %exp3A_412 : vector<16xf32>
      %select_n3A_576 = arith.select %ge3A_575, %broadcast_in_dim3A_5, %broadcast_in_dim3A_3 : vector<16xi1>, vector<16xf32>
      %add3A_577 = arith.addf %add3A_574, %select_n3A_576 : vector<16xf32>
      %ge3A_578 = arith.cmpf oge, %exp3A_404, %exp3A_412 : vector<16xf32>
      %select_n3A_579 = arith.select %ge3A_578, %broadcast_in_dim3A_5, %broadcast_in_dim3A_3 : vector<16xi1>, vector<16xf32>
      %add3A_580 = arith.addf %add3A_577, %select_n3A_579 : vector<16xf32>
      %ge3A_581 = arith.cmpf oge, %exp3A_406, %exp3A_412 : vector<16xf32>
      %select_n3A_582 = arith.select %ge3A_581, %broadcast_in_dim3A_5, %broadcast_in_dim3A_3 : vector<16xi1>, vector<16xf32>
      %add3A_583 = arith.addf %add3A_580, %select_n3A_582 : vector<16xf32>
      %ge3A_584 = arith.cmpf oge, %exp3A_408, %exp3A_412 : vector<16xf32>
      %select_n3A_585 = arith.select %ge3A_584, %broadcast_in_dim3A_5, %broadcast_in_dim3A_3 : vector<16xi1>, vector<16xf32>
      %add3A_586 = arith.addf %add3A_583, %select_n3A_585 : vector<16xf32>
      %ge3A_587 = arith.cmpf oge, %exp3A_410, %exp3A_412 : vector<16xf32>
      %select_n3A_588 = arith.select %ge3A_587, %broadcast_in_dim3A_5, %broadcast_in_dim3A_3 : vector<16xi1>, vector<16xf32>
      %add3A_589 = arith.addf %add3A_586, %select_n3A_588 : vector<16xf32>
      %gt3A_590 = arith.cmpf ogt, %exp3A_414, %exp3A_412 : vector<16xf32>
      %select_n3A_591 = arith.select %gt3A_590, %broadcast_in_dim3A_5, %broadcast_in_dim3A_3 : vector<16xi1>, vector<16xf32>
      %add3A_592 = arith.addf %add3A_589, %select_n3A_591 : vector<16xf32>
      %lt3A_593 = arith.constant 4.500000e+00 : f32
      %lt3A_594 = vector.broadcast %lt3A_593 : f32 to vector<16xf32>
      %lt3A_595 = arith.cmpf olt, %add3A_592, %lt3A_594 : vector<16xf32>
      %select_n3A_596 = arith.select %lt3A_595, %exp3A_412, %broadcast_in_dim3A_3 : vector<16xi1>, vector<16xf32>
      %ge3A_597 = arith.cmpf oge, %exp3A_400, %exp3A_414 : vector<16xf32>
      %select_n3A_598 = arith.select %ge3A_597, %broadcast_in_dim3A_5, %broadcast_in_dim3A_3 : vector<16xi1>, vector<16xf32>
      %add3A_599 = arith.addf %broadcast_in_dim3A_3, %select_n3A_598 : vector<16xf32>
      %ge3A_600 = arith.cmpf oge, %exp3A_402, %exp3A_414 : vector<16xf32>
      %select_n3A_601 = arith.select %ge3A_600, %broadcast_in_dim3A_5, %broadcast_in_dim3A_3 : vector<16xi1>, vector<16xf32>
      %add3A_602 = arith.addf %add3A_599, %select_n3A_601 : vector<16xf32>
      %ge3A_603 = arith.cmpf oge, %exp3A_404, %exp3A_414 : vector<16xf32>
      %select_n3A_604 = arith.select %ge3A_603, %broadcast_in_dim3A_5, %broadcast_in_dim3A_3 : vector<16xi1>, vector<16xf32>
      %add3A_605 = arith.addf %add3A_602, %select_n3A_604 : vector<16xf32>
      %ge3A_606 = arith.cmpf oge, %exp3A_406, %exp3A_414 : vector<16xf32>
      %select_n3A_607 = arith.select %ge3A_606, %broadcast_in_dim3A_5, %broadcast_in_dim3A_3 : vector<16xi1>, vector<16xf32>
      %add3A_608 = arith.addf %add3A_605, %select_n3A_607 : vector<16xf32>
      %ge3A_609 = arith.cmpf oge, %exp3A_408, %exp3A_414 : vector<16xf32>
      %select_n3A_610 = arith.select %ge3A_609, %broadcast_in_dim3A_5, %broadcast_in_dim3A_3 : vector<16xi1>, vector<16xf32>
      %add3A_611 = arith.addf %add3A_608, %select_n3A_610 : vector<16xf32>
      %ge3A_612 = arith.cmpf oge, %exp3A_410, %exp3A_414 : vector<16xf32>
      %select_n3A_613 = arith.select %ge3A_612, %broadcast_in_dim3A_5, %broadcast_in_dim3A_3 : vector<16xi1>, vector<16xf32>
      %add3A_614 = arith.addf %add3A_611, %select_n3A_613 : vector<16xf32>
      %ge3A_615 = arith.cmpf oge, %exp3A_412, %exp3A_414 : vector<16xf32>
      %select_n3A_616 = arith.select %ge3A_615, %broadcast_in_dim3A_5, %broadcast_in_dim3A_3 : vector<16xi1>, vector<16xf32>
      %add3A_617 = arith.addf %add3A_614, %select_n3A_616 : vector<16xf32>
      %lt3A_618 = arith.constant 4.500000e+00 : f32
      %lt3A_619 = vector.broadcast %lt3A_618 : f32 to vector<16xf32>
      %lt3A_620 = arith.cmpf olt, %add3A_617, %lt3A_619 : vector<16xf32>
      %select_n3A_621 = arith.select %lt3A_620, %exp3A_414, %broadcast_in_dim3A_3 : vector<16xi1>, vector<16xf32>
      %add3A_622 = arith.addf %select_n3A_446, %select_n3A_471 : vector<16xf32>
      %add3A_623 = arith.addf %add3A_622, %select_n3A_496 : vector<16xf32>
      %add3A_624 = arith.addf %add3A_623, %select_n3A_521 : vector<16xf32>
      %add3A_625 = arith.addf %add3A_624, %select_n3A_546 : vector<16xf32>
      %add3A_626 = arith.addf %add3A_625, %select_n3A_571 : vector<16xf32>
      %add3A_627 = arith.addf %add3A_626, %select_n3A_596 : vector<16xf32>
      %add3A_628 = arith.addf %add3A_627, %select_n3A_621 : vector<16xf32>
      %mul3A_629 = arith.constant 9.99999993E-9 : f32
      %mul3A_630 = vector.broadcast %mul3A_629 : f32 to vector<16xf32>
      %mul3A_631 = arith.mulf %mul3A_630, %add3A_421 : vector<16xf32>
      %add3A_632 = arith.addf %add3A_628, %mul3A_631 : vector<16xf32>
      %div3A_633 = arith.constant 1.000000e+00 : f32
      %div3A_634 = vector.broadcast %div3A_633 : f32 to vector<16xf32>
      %div3A_635 = arith.divf %div3A_634, %add3A_632 : vector<16xf32>
      %mul3A_636 = arith.mulf %select_n3A_446, %div3A_635 : vector<16xf32>
      %swap3A_637 = arith.constant 0 : i32
      %swap3A_638 = arith.index_cast %swap3A_637 : i32 to index
      %swap3A_639 = arith.index_cast %add3A_351 : i32 to index
      %swap3A_640 = tpu.vector_load %arg5[%swap3A_638, %swap3A_639] {strides = array<i32>} : memref<8x1024xf32, #tpu.memory_space<vmem>>, vector<1x16xf32>,
      %swap3A_641 = vector.shape_cast %swap3A_640 : vector<1x16xf32> to vector<16xf32>
      %swap3A_642 = vector.shape_cast %mul3A_636 : vector<16xf32> to vector<1x16xf32>
      tpu.vector_store %arg5[%swap3A_638, %swap3A_639], %swap3A_642 {strides = array<i32>} : memref<8x1024xf32, #tpu.memory_space<vmem>>, vector<1x16xf32>,
      %mul3A_643 = arith.mulf %select_n3A_471, %div3A_635 : vector<16xf32>
      %swap3A_644 = arith.constant 1 : i32
      %swap3A_645 = arith.index_cast %swap3A_644 : i32 to index
      %swap3A_646 = arith.index_cast %add3A_351 : i32 to index
      %swap3A_647 = tpu.vector_load %arg5[%swap3A_645, %swap3A_646] {strides = array<i32>} : memref<8x1024xf32, #tpu.memory_space<vmem>>, vector<1x16xf32>,
      %swap3A_648 = vector.shape_cast %swap3A_647 : vector<1x16xf32> to vector<16xf32>
      %swap3A_649 = vector.shape_cast %mul3A_643 : vector<16xf32> to vector<1x16xf32>
      tpu.vector_store %arg5[%swap3A_645, %swap3A_646], %swap3A_649 {strides = array<i32>} : memref<8x1024xf32, #tpu.memory_space<vmem>>, vector<1x16xf32>,
      %mul3A_650 = arith.mulf %select_n3A_496, %div3A_635 : vector<16xf32>
      %swap3A_651 = arith.constant 2 : i32
      %swap3A_652 = arith.index_cast %swap3A_651 : i32 to index
      %swap3A_653 = arith.index_cast %add3A_351 : i32 to index
      %swap3A_654 = tpu.vector_load %arg5[%swap3A_652, %swap3A_653] {strides = array<i32>} : memref<8x1024xf32, #tpu.memory_space<vmem>>, vector<1x16xf32>,
      %swap3A_655 = vector.shape_cast %swap3A_654 : vector<1x16xf32> to vector<16xf32>
      %swap3A_656 = vector.shape_cast %mul3A_650 : vector<16xf32> to vector<1x16xf32>
      tpu.vector_store %arg5[%swap3A_652, %swap3A_653], %swap3A_656 {strides = array<i32>} : memref<8x1024xf32, #tpu.memory_space<vmem>>, vector<1x16xf32>,
      %mul3A_657 = arith.mulf %select_n3A_521, %div3A_635 : vector<16xf32>
      %swap3A_658 = arith.constant 3 : i32
      %swap3A_659 = arith.index_cast %swap3A_658 : i32 to index
      %swap3A_660 = arith.index_cast %add3A_351 : i32 to index
      %swap3A_661 = tpu.vector_load %arg5[%swap3A_659, %swap3A_660] {strides = array<i32>} : memref<8x1024xf32, #tpu.memory_space<vmem>>, vector<1x16xf32>,
      %swap3A_662 = vector.shape_cast %swap3A_661 : vector<1x16xf32> to vector<16xf32>
      %swap3A_663 = vector.shape_cast %mul3A_657 : vector<16xf32> to vector<1x16xf32>
      tpu.vector_store %arg5[%swap3A_659, %swap3A_660], %swap3A_663 {strides = array<i32>} : memref<8x1024xf32, #tpu.memory_space<vmem>>, vector<1x16xf32>,
      %mul3A_664 = arith.mulf %select_n3A_546, %div3A_635 : vector<16xf32>
      %swap3A_665 = arith.constant 4 : i32
      %swap3A_666 = arith.index_cast %swap3A_665 : i32 to index
      %swap3A_667 = arith.index_cast %add3A_351 : i32 to index
      %swap3A_668 = tpu.vector_load %arg5[%swap3A_666, %swap3A_667] {strides = array<i32>} : memref<8x1024xf32, #tpu.memory_space<vmem>>, vector<1x16xf32>,
      %swap3A_669 = vector.shape_cast %swap3A_668 : vector<1x16xf32> to vector<16xf32>
      %swap3A_670 = vector.shape_cast %mul3A_664 : vector<16xf32> to vector<1x16xf32>
      tpu.vector_store %arg5[%swap3A_666, %swap3A_667], %swap3A_670 {strides = array<i32>} : memref<8x1024xf32, #tpu.memory_space<vmem>>, vector<1x16xf32>,
      %mul3A_671 = arith.mulf %select_n3A_571, %div3A_635 : vector<16xf32>
      %swap3A_672 = arith.constant 5 : i32
      %swap3A_673 = arith.index_cast %swap3A_672 : i32 to index
      %swap3A_674 = arith.index_cast %add3A_351 : i32 to index
      %swap3A_675 = tpu.vector_load %arg5[%swap3A_673, %swap3A_674] {strides = array<i32>} : memref<8x1024xf32, #tpu.memory_space<vmem>>, vector<1x16xf32>,
      %swap3A_676 = vector.shape_cast %swap3A_675 : vector<1x16xf32> to vector<16xf32>
      %swap3A_677 = vector.shape_cast %mul3A_671 : vector<16xf32> to vector<1x16xf32>
      tpu.vector_store %arg5[%swap3A_673, %swap3A_674], %swap3A_677 {strides = array<i32>} : memref<8x1024xf32, #tpu.memory_space<vmem>>, vector<1x16xf32>,
      %mul3A_678 = arith.mulf %select_n3A_596, %div3A_635 : vector<16xf32>
      %swap3A_679 = arith.constant 6 : i32
      %swap3A_680 = arith.index_cast %swap3A_679 : i32 to index
      %swap3A_681 = arith.index_cast %add3A_351 : i32 to index
      %swap3A_682 = tpu.vector_load %arg5[%swap3A_680, %swap3A_681] {strides = array<i32>} : memref<8x1024xf32, #tpu.memory_space<vmem>>, vector<1x16xf32>,
      %swap3A_683 = vector.shape_cast %swap3A_682 : vector<1x16xf32> to vector<16xf32>
      %swap3A_684 = vector.shape_cast %mul3A_678 : vector<16xf32> to vector<1x16xf32>
      tpu.vector_store %arg5[%swap3A_680, %swap3A_681], %swap3A_684 {strides = array<i32>} : memref<8x1024xf32, #tpu.memory_space<vmem>>, vector<1x16xf32>,
      %mul3A_685 = arith.mulf %select_n3A_621, %div3A_635 : vector<16xf32>
      %swap3A_686 = arith.constant 7 : i32
      %swap3A_687 = arith.index_cast %swap3A_686 : i32 to index
      %swap3A_688 = arith.index_cast %add3A_351 : i32 to index
      %swap3A_689 = tpu.vector_load %arg5[%swap3A_687, %swap3A_688] {strides = array<i32>} : memref<8x1024xf32, #tpu.memory_space<vmem>>, vector<1x16xf32>,
      %swap3A_690 = vector.shape_cast %swap3A_689 : vector<1x16xf32> to vector<16xf32>
      %swap3A_691 = vector.shape_cast %mul3A_685 : vector<16xf32> to vector<1x16xf32>
      tpu.vector_store %arg5[%swap3A_687, %swap3A_688], %swap3A_691 {strides = array<i32>} : memref<8x1024xf32, #tpu.memory_space<vmem>>, vector<1x16xf32>,
    }
    %scan3A_10 = arith.constant 32 : i32
    "tpu.region"() ({
      %run_scoped3A = tpu.sem_alloc : memref<!tpu.dma_semaphore, #tpu.memory_space<semaphore_mem>>
      %dma_start3A = arith.constant 0 : i32
      %dma_start3A_11 = tpu.memref_slice %arg3[%dma_start3A, %mul3A_2] : memref<8x32768xf32, #tpu.memory_space<hbm>> -> memref<8x1024xf32, #tpu.memory_space<hbm>>
      %dma_start3A_12 = arith.constant 0 : i32
      %dma_start3A_13 = tpu.memref_slice %arg3[%dma_start3A_12, %mul3A_2] : memref<8x32768xf32, #tpu.memory_space<hbm>> -> memref<8x1024xf32, #tpu.memory_space<hbm>>
      tpu.enqueue_dma source(%arg5 : memref<8x1024xf32, #tpu.memory_space<vmem>>) target(%dma_start3A_13 : memref<8x1024xf32, #tpu.memory_space<hbm>>) target_semaphore(%run_scoped3A : memref<!tpu.dma_semaphore, #tpu.memory_space<semaphore_mem>>)
      %dma_wait3A = arith.constant 0 : i32
      %dma_wait3A_14 = tpu.memref_slice %arg3[%dma_wait3A, %mul3A_2] : memref<8x32768xf32, #tpu.memory_space<hbm>> -> memref<8x1024xf32, #tpu.memory_space<hbm>>
      %dma_wait3A_15 = arith.constant 0 : i32
      %dma_wait3A_16 = tpu.memref_slice %arg3[%dma_wait3A_15, %mul3A_2] : memref<8x32768xf32, #tpu.memory_space<hbm>> -> memref<8x1024xf32, #tpu.memory_space<hbm>>
      tpu.wait_dma2 semaphore(%run_scoped3A : memref<!tpu.dma_semaphore, #tpu.memory_space<semaphore_mem>>) src(%arg5 : memref<8x1024xf32, #tpu.memory_space<vmem>>) dst(%dma_wait3A_16 : memref<8x1024xf32, #tpu.memory_space<hbm>>)
      tpu.yield
    }) : () -> ()
    return
  }
}

module attributes {stable_mosaic.version = 14 : i64} {
  func.func @_scores_body(%arg0: i32, %arg1: memref<4096x768xf32, #tpu.memory_space<vmem>>, %arg2: memref<8x768xf32, #tpu.memory_space<vmem>>, %arg3: memref<8x1xf32, #tpu.memory_space<vmem>>, %arg4: memref<8x4096xf32, #tpu.memory_space<vmem>>) attributes {dimension_semantics = [#tpu.dimension_semantics<arbitrary>], iteration_bounds = array<i64: 8>, scalar_prefetch = 0 : i64, scratch_operands = 0 : i64, tpu.core_type = #tpu.core_type<tc>, window_params = [{transform_indices = @transform_0, window_bounds = array<i64: 4096, 768>}, {pipeline_mode = #tpu.pipeline_mode<synchronous>, transform_indices = @transform_1, window_bounds = array<i64: 8, 768>}, {pipeline_mode = #tpu.pipeline_mode<synchronous>, transform_indices = @transform_2, window_bounds = array<i64: 8, 1>}, {transform_indices = @transform_3, window_bounds = array<i64: 8, 4096>}]} {
    %get3A = arith.constant 0 : index
    %get3A_0 = arith.constant 0 : index
    %get3A_1 = vector.load %arg2[%get3A, %get3A_0] : memref<8x768xf32, #tpu.memory_space<vmem>>, vector<8x768xf32>
    %get3A_2 = arith.constant 0 : index
    %get3A_3 = arith.constant 0 : index
    %get3A_4 = vector.load %arg1[%get3A_2, %get3A_3] : memref<4096x768xf32, #tpu.memory_space<vmem>>, vector<4096x768xf32>
    %dot_general3A = arith.constant dense<0.000000e+00> : vector<8x4096xf32>
    %dot_general3A_5 = tpu.matmul %get3A_1, %get3A_4, %dot_general3A {dimension_numbers = #tpu.dot_dimension_numbers<[1], [1], [0], [0], [0, 0, 1, 0], [], []>, transpose_lhs_hint = false} : vector<8x768xf32>, vector<4096x768xf32>, vector<8x4096xf32> -> vector<8x4096xf32>
    %get3A_6 = arith.constant 0 : index
    %get3A_7 = arith.constant 0 : index
    %get3A_8 = vector.load %arg3[%get3A_6, %get3A_7] : memref<8x1xf32, #tpu.memory_space<vmem>>, vector<8x1xf32>
    %add3A = vector.broadcast %get3A_8 : vector<8x1xf32> to vector<8x4096xf32>
    %add3A_9 = arith.addf %dot_general3A_5, %add3A : vector<8x4096xf32>
    %mul3A = arith.constant 0.36787945 : f32
    %mul3A_10 = vector.broadcast %mul3A : f32 to vector<8x4096xf32>
    %mul3A_11 = arith.mulf %add3A_9, %mul3A_10 : vector<8x4096xf32>
    %swap3A = arith.constant 0 : index
    %swap3A_12 = arith.constant 0 : index
    %swap3A_13 = vector.load %arg4[%swap3A, %swap3A_12] : memref<8x4096xf32, #tpu.memory_space<vmem>>, vector<8x4096xf32>
    tpu.vector_store %arg4[%swap3A, %swap3A_12], %mul3A_11 {strides = array<i32>} : memref<8x4096xf32, #tpu.memory_space<vmem>>, vector<8x4096xf32>,
    return
  }
  func.func @transform_0(%arg0: i32) -> (i32, i32) {
    %c0_i32 = arith.constant 0 : i32
    %c0_i32_0 = arith.constant 0 : i32
    return %arg0, %c0_i32 : i32, i32
  }
  func.func @transform_1(%arg0: i32) -> (i32, i32) {
    %c0_i32 = arith.constant 0 : i32
    %c0_i32_0 = arith.constant 0 : i32
    %c0_i32_1 = arith.constant 0 : i32
    return %c0_i32, %c0_i32_0 : i32, i32
  }
  func.func @transform_2(%arg0: i32) -> (i32, i32) {
    %c0_i32 = arith.constant 0 : i32
    %c0_i32_0 = arith.constant 0 : i32
    %c0_i32_1 = arith.constant 0 : i32
    return %c0_i32, %c0_i32_0 : i32, i32
  }
  func.func @transform_3(%arg0: i32) -> (i32, i32) {
    %c0_i32 = arith.constant 0 : i32
    %c0_i32_0 = arith.constant 0 : i32
    return %c0_i32, %arg0 : i32, i32
  }
}

</mosaic_0001>

<sc_bundles>
// kernel: kernel.4.cloned.1.call-start
scs
__scs_entry_jumppad:
0x0: {  	(pc) =	sbr.rel $0x88, $3  }
0x1: {  	(tag) =	ssettag $0x0;
	lr =	simm.s32 $0x1  }
0x2: {  	[smem:$0x3F9E] =	sst lr;
	_ =	strace $0xD0000000  }
0x3: {  	_ = 	snop  }
0x4: {  	_ = 	snop  }
0x5: {  	_ = 	snop  }
0x6: {  	_ = 	snop  }
0x7: {  	_ = 	snop  }
__scs_overlays_trampoline_lowered:
0x8: {  	[smem:$0x3FAD] =	sst s0  }
0x9: {  	[smem:$0x3FAE] =	sst s1  }
0xa: {  	[smem:$0x3FAF] =	sst s2  }
0xb: {  	[smem:$0x3FB0] =	sst s3  }
0xc: {  	[smem:$0x3FB1] =	sst s4  }
0xd: {  	[smem:$0x3FB2] =	sst s5  }
0xe: {  	[smem:$0x3FB3] =	sst s6  }
0xf: {  	[smem:$0x3FB4] =	sst s7  }
0x10: {  	[smem:$0x3FB5] =	sst s8  }
0x11: {  	[smem:$0x3FB6] =	sst s9;
	s0 =	simm.s32 @!p0 $0x0  }
0x12: {  	s1 =	sld [smem:$0x3F9C];
	s0 =	simm.s32 @p0 $0x1  }
0x13: {  	[smem:$0x3FB7] =	sst s0;
	s0 =	simm.s32 @!p1 $0x0  }
0x14: {  	s2 =	sld [smem:$0x3F9B];
	s0 =	simm.s32 @p1 $0x1  }
0x15: {  	[smem:$0x3FB8] =	sst s0;
	s0 =	simm.s32 @!p2 $0x0  }
0x16: {  	s3 =	sld [smem:$0x3FDB];
	s0 =	simm.s32 @p2 $0x1  }
0x17: {  	s4 =	simm.s32 $0x1BF5;
	[smem:$0x3FBA] =	sst s0  }
0x18: {  	s0 =	sld [smem:$0x3F9D];
	_ =	swait.ge [sflag:s4], $0x0  }
0x19: {  	s7 =	sld [smem:$0x3F9E]  }
0x1a: {  	s8 =	sadd.s32 $0xFFFFE003, lr  }
0x1b: {  	s9 =	sadd.s32 $0xFFFFFEF7, lr;
	s5 =	simm.s32 $0xFFFFFFFF;
	p2 =	slt.u32 s8, $0xFFFFF086  }
0x1c: {  	p1 =	slt.u32 s9, $0xF7A;
	s5 =	simm.s32 @!p2 $0x0  }
0x1d: {  	s5 =	simm.s32 @p1 $0x1;
	p0 =	seq.s32 s7, s2  }
0x1e: {  	s7 =	smul.u32 @!p0 $0xF7A, s2;
	p2 =	seq.s32 @!p0 s5, $0x0  }
0x1f: {  	s9 =	smul.u32 $0xF7A, s1;
	s8 =	simm.s32 @!p0 $0x1BF5;
	p2 =	por !p2, p0  }
0x20: {  	[sflag:s8] =	ssyncset.s32 @!p0 $0xFFFFF086;
	s6 =	sadd.s32 @!p0 s3, s7;
	s7 =	simm.s32 @!p0 $0x108  }
0x21: {  	s3 =	sadd.s32 s3, s9;
	s6 =	sadd.s32 @!p0 $0x88, s6;
	s7 =	simm.s32 @p2 $0x1082  }
0x22: {  	[simem:s7], [sflag:s8] =	dma.local @!p0 [hbm:s6], $0xF7A  }
0x23: {  	s9 =	sor.u32 $0xD0000000, s2;
	s6 =	simm.s32 $0x108;
	_ =	swait.ge @!p0 [sflag:s8], $0x0  }
0x24: {  	s3 =	sadd.s32 $0x88, s3;
	s6 =	simm.s32 @!p1 $0x1082;
	[sflag:s4] =	ssyncset.s32 $0xFFFFF086  }
0x25: {  	[simem:s6], [sflag:s4] =	dma.local [hbm:s3], $0xF7A  }
0x26: {  	[smem:$0x3F9E] =	sst s1;
	(tag) =	ssettag s2;
	_ =	strace s9  }
0x27: {  	s1 =	sld [smem:$0x3FAE]  }
0x28: {  	s2 =	sld [smem:$0x3FAF]  }
0x29: {  	s4 =	sld [smem:$0x3FB1]  }
0x2a: {  	p0 =	seq.s32 s5, $0x0;
	s5 =	sld [smem:$0x3FB2]  }
0x2b: {  	s6 =	sld [smem:$0x3FB3]  }
0x2c: {  	s7 =	sld [smem:$0x3FB4]  }
0x2d: {  	s3 =	simm.s32 $0x108;
	s8 =	sld [smem:$0x3FB5]  }
0x2e: {  	s3 =	simm.s32 @!p0 $0x1082;
	s9 =	sld [smem:$0x3FB6]  }
0x2f: {  	lr =	sadd.s32 s0, s3;
	s0 =	sld [smem:$0x3FAD]  }
0x30: {  	s3 =	sld [smem:$0x3FB0]  }
0x31: {  	[smem:$0x3FB9] =	sst s10  }
0x32: {  	s10 =	sld [smem:$0x3FB7];
	_ =	sdelay $0x3  }
0x33: {  	p0 =	seq.s32 s10, $0x1;
	s10 =	sld [smem:$0x3FB9];
	_ =	sdelay $0x3  }
0x34: {  	[smem:$0x3FB9] =	sst s10  }
0x35: {  	s10 =	sld [smem:$0x3FB8];
	_ =	sdelay $0x3  }
0x36: {  	p1 =	seq.s32 s10, $0x1;
	s10 =	sld [smem:$0x3FB9];
	_ =	sdelay $0x3  }
0x37: {  	[smem:$0x3FB9] =	sst s10  }
0x38: {  	s10 =	sld [smem:$0x3FBA]  }
0x39: {  	_ = 	snop;
	(pc) =	sbr.ind lr, $3  }
0x3a: {  	_ = 	snop  }
0x3b: {  	_ = 	snop  }
0x3c: {  	p2 =	seq.s32 s10, $0x1;
	s10 =	sld [smem:$0x3FB9]  }
0x3d: {  	_ =	shalt  }
0x3e: {  	_ =	shalt  }
0x3f: {  	_ =	shalt  }
0x40: {  	_ =	shalt  }
0x41: {  	_ =	shalt  }
0x42: {  	_ =	shalt  }
0x43: {  	_ =	shalt  }
0x44: {  	_ =	shalt  }
0x45: {  	_ =	shalt  }
0x46: {  	_ =	shalt  }
0x47: {  	_ =	shalt  }
0x48: {  	_ =	shalt  }
0x49: {  	_ =	shalt  }
0x4a: {  	_ =	shalt  }
0x4b: {  	_ =	shalt  }
0x4c: {  	_ =	shalt  }
0x4d: {  	_ =	shalt  }
0x4e: {  	_ =	shalt  }
0x4f: {  	_ =	shalt  }
0x50: {  	_ =	shalt  }
0x51: {  	_ =	shalt  }
0x52: {  	_ =	shalt  }
0x53: {  	_ =	shalt  }
0x54: {  	_ =	shalt  }
0x55: {  	_ =	shalt  }
0x56: {  	_ =	shalt  }
0x57: {  	_ =	shalt  }
0x58: {  	_ =	shalt  }
0x59: {  	_ =	shalt  }
0x5a: {  	_ =	shalt  }
0x5b: {  	_ =	shalt  }
0x5c: {  	_ =	shalt  }
0x5d: {  	_ =	shalt  }
0x5e: {  	_ =	shalt  }
0x5f: {  	_ =	shalt  }
0x60: {  	_ =	shalt  }
0x61: {  	_ =	shalt  }
0x62: {  	_ =	shalt  }
0x63: {  	_ =	shalt  }
0x64: {  	_ =	shalt  }
0x65: {  	_ =	shalt  }
0x66: {  	_ =	shalt  }
0x67: {  	_ =	shalt  }
0x68: {  	_ =	shalt  }
0x69: {  	_ =	shalt  }
0x6a: {  	_ =	shalt  }
0x6b: {  	_ =	shalt  }
0x6c: {  	_ =	shalt  }
0x6d: {  	_ =	shalt  }
0x6e: {  	_ =	shalt  }
0x6f: {  	_ =	shalt  }
0x70: {  	_ =	shalt  }
0x71: {  	_ =	shalt  }
0x72: {  	_ =	shalt  }
0x73: {  	_ =	shalt  }
0x74: {  	_ =	shalt  }
0x75: {  	_ =	shalt  }
0x76: {  	_ =	shalt  }
0x77: {  	_ =	shalt  }
0x78: {  	_ =	shalt  }
0x79: {  	_ =	shalt  }
0x7a: {  	_ =	shalt  }
0x7b: {  	_ =	shalt  }
0x7c: {  	_ =	shalt  }
0x7d: {  	_ =	shalt  }
0x7e: {  	_ =	shalt  }
0x7f: {  	_ =	shalt  }
0x80: {  	_ =	shalt  }
0x81: {  	_ =	shalt  }
0x82: {  	_ =	shalt  }
0x83: {  	_ =	shalt  }
0x84: {  	_ =	shalt  }
0x85: {  	_ =	shalt  }
0x86: {  	_ =	shalt  }
0x87: {  	_ =	shalt  }
.Lfunc_end0:
.L_simem_size_0:
called_computation_lowered:
.L_overlay_start_0:
0x88: {  	s2 =	sld [smem:$0x3FD9]  }
0x89: {  	s3 =	sld [smem:$0x3FFE];
	_ =	sdelay $0x1  }
0x8a: {  	s1 =	srdreg.scid  }
0x8b: {  	s0 =	sand.u32 $0x1, s1  }
0x8c: {  	s17 =	sshll.u32 s0, $0xA;
	s2 =	sadd.s32 s3, s2  }
0x8d: {  	s2 =	sadd.s32 s2, s17  }
0x8e: {  	[smem:$0x3FC5] =	sst s2  }
0x8f: {  	_ = 	snop  }
0x90: {  	s2 =	sld [smem:$0x3FD0];
	(tm) =	ssettm $0x1  }
0x91: {  	s18 =	sld [smem:$0x3FFB];
	_ =	sdelay $0x3  }
0x92: {  	_ =	strace s18  }
0x93: {  	s3 =	sld [smem:$0x3FFC];
	_ =	sdelay $0x3  }
0x94: {  	_ =	strace s3  }
0x95: {  	s3 =	sld [smem:$0x3FFD];
	_ =	sdelay $0x3  }
0x96: {  	_ =	strace s3  }
0x97: {  	_ =	strace $0x8FFFFFFF  }
0x98: {  	s19 =	sld [smem:$0x3FDB];
	_ =	sdelay $0x1  }
0x99: {  	s4 =	simm.s32 $_scs_section_size  }
0x9a: {  	s5 =	simm.s32 $_size__tile_overlayer_lowered;
	s6 =	simm.s32 $_tile_overlayer_lowered  }
0x9b: {  	s22 =	simm.s32 $0x1BFF;
	s21 =	sshll.u32 s6, $0x1;
	s3 =	sadd.s32 s4, s19  }
0x9c: {  	s7 =	simm.s32 $0x0;
	s20 =	sshll.u32 s5, $0x1;
	s5 =	sadd.s32 s21, s3  }
0x9d: {  	[timem:s7], [sflag:s22] =	dma.local [hbm:s5], s20  }
0x9e: {  	_ =	swait.ge [sflag:s22], s20  }
0x9f: {  	s4 =	ssub.s32 $0x0, s20;
	[sflag:s22] =	ssyncset.done $0x0  }
0xa0: {  	[sflag:s22] =	ssyncadd.s32 s4;
	_ =	sdelay $0x1  }
0xa1: {  	s23 =	simm.s32 $0x1B8B  }
0xa2: {  	_ =	swait.ge [sflag:s23], $0x1  }
0xa3: {  	[sflag:s23] =	ssyncset.done $0x0  }
0xa4: {  	s25 =	simm.s32 $0x1B8E;
	s24 =	sld [smem:$0x3FFE];
	[sflag:s23] =	ssyncadd.s32 $0xFFFFFFFF  }
0xa5: {  	s26 =	simm.s32 $execute0_lowered;
	[smem:$0x3FD2] =	sst s25  }
0xa6: {  	s5 =	sshll.u32 s26, $0x1;
	_ =	strace $0x80000046;
	[dreg:$0x1] =	wrdreg $0xFFFFFFFF  }
0xa7: {  	s28 =	simm.s32 $_size_execute0_lowered;
	s3 =	sadd.s32 s3, s5;
	[dreg:$0x0] =	wrdreg $0x0  }
0xa8: {  	s5 =	sshll.u32 s28, $0x1;
	[dreg:$0x2] =	wrdreg s3  }
0xa9: {  	[dreg:$0x3] =	wrdreg s5  }
0xaa: {  	[dreg:$0x4] =	wrdreg $0xC0  }
0xab: {  	_ =	task [dreg:s7], $0x5FFFF  }
0xac: {  	[dreg:$0x1] =	wrdreg $0xFFFFFFFF  }
0xad: {  	[dreg:$0x0] =	wrdreg $0x60  }
0xae: {  	[dreg:$0x2] =	wrdreg s24  }
0xaf: {  	[dreg:$0x3] =	wrdreg s2  }
0xb0: {  	[dreg:$0x4] =	wrdreg $0x9  }
0xb1: {  	_ =	task.clear_ibuf [dreg:s7], $0x5FFFF;
	_ =	strace $0x90000046  }
0xb2: {  	s29 =	simm.s32 $0x9;
	_ =	strace $0x80000048  }
0xb3: {  	_ =	swait.ge [sflag:s29], $0x1  }
0xb4: {  	[sflag:s29] =	ssyncadd.s32 $0xFFFFFFFF  }
0xb5: {  	_ =	strace $0x90000048  }
0xb6: {  	_ =	sfence  }
0xb7: {  	s30 =	sld [smem:$0x0];
	_ =	sdelay $0x2  }
0xb8: {  	s31 =	sshll.u32 s1, $0xD;
	s1 =	sshrl.u32 s1, $0x2  }
0xb9: {  	s3 =	sand.u32 $0x4000, s31;
	s1 =	sadd.s32 s1, s30  }
0xba: {  	s0 =	sor.u32 s3, s0;
	s1 =	sshll.u32 s1, $0x11  }
0xbb: {  	s0 =	sor.u32 s1, s0  }
0xbc: {  	s0 =	sadd.s32 $0x8F2B, s0  }
0xbd: {  	[sflag:s0] =	ssyncadd.remote.s32 $0x1  }
0xbe: {  	_ =	sfence.sel $0xFFFF  }
0xbf: {  	[dreg:$0x0] =	wrdreg $0xFFFFFFFF;
	(pc) =	sbr.abs _section_cstart, $3  }
0xc0: {  	[dreg:$0x1] =	wrdreg $0xFFFFFFFF  }
0xc1: {  	_ =	task.clear_ibuf [dreg:s7], $0x2FFFF;
	_ =	strace $0x9FFFFFFF  }
0xc2: {  	(tm) =	ssettm $0x7FFFFFFF  }
0xc3: {  	_ =	shalt  }
tec
execute0_lowered:
.L_overlay_start_1:
0x0: {  	(tag) =	ssettag $0x1  }
0x1: {  	s3 =	rddreg [dreg:$0x0]  }
0x2: {  	s4 =	rddreg [dreg:$0x1]  }
0x3: {  	s0 =	rddreg [dreg:$0x2];
	s5 =	srdreg.scid  }
0x4: {  	s2 =	simm.s32 $0x0;
	s1 =	stileid.u32;
	s8 =	simm.s32 $0x0  }
0x5: {  	s5 =	sand.u32 $0x1, s5;
	s6 =	sshll.u32 s1, $0xB;
	[smem:$0x7FF] =	sst s2  }
0x6: {  	s7 =	sshll.u32 s5, $0xA;
	s5 =	ssub.s32 $0x2, s5;
	_ =	strace $0x80000047  }
0x7: {  	s6 =	sor.u32 s7, s6;
	s31 =	sshrl.u32 s5, $0x1;
	s7 =	simm.s32 $0x2000  }
0x8: {  	s3 =	sadd.s32 s6, s3;
	s5 =	ssub.s32 s5, s31;
	s4 =	sadd.s32 s4, s6  }
0x9: {  	v0 =	vimm.f32 $0.0e+00;
	s6 =	simm.s32 $0x1;
	s3 =	sadd.s32 $0x800, s3;
	s5 =	smax.u32 s5, $0x1  }
.LBB2_1:
0xa: {  	[tilespmem:s2], [sflag:$0x1] =	stream.linear.gather [hbm4b:s3+s2], $0x2000, $0x38;
	[tilespmem:$0x4000] =	vst v63  }
0xb: {  	_ =	swait.ge [sflag:s6], $0x2000  }
0xc: {  	s9 =	simm.s32 $0x0;
	[sflag:s6] =	ssyncset.done $0x0  }
0xd: {  	s10 =	simm.s32 $0x0;
	s11 =	simm.s32 $0x0;
	[sflag:s6] =	ssyncadd.s32 $0xFFFFE000  }
.LBB2_2:
0xe: {  	s12 =	sand.u32 $0x60, s11;
	s13 =	sand.u32 $0x1C00, s10  }
0xf: {  	s12 =	sor.u32 s12, s13  }
0x10: {  	v1 =	vld [tilespmem:s12+$0x0]  }
0x11: {  	v2 =	vld [tilespmem:s12+$0x80]  }
0x12: {  	s30 =	sand.u32 $0x3, s9;
	v3 =	vld [tilespmem:s12+$0x100]  }
0x13: {  	s13 =	sshll.u32 s30, $0x5;
	v4 =	vld [tilespmem:s12+$0x180]  }
0x14: {  	v5 =	vld [tilespmem:s12+$0x200];
	s13 =	sadd.s32 s13, s10  }
0x15: {  	s15 =	sor.u32 s10, s11;
	v6 =	vld [tilespmem:s12+$0x280];
	s14 =	sor.u32 $0x300, s13  }
0x16: {  	s15 =	sor.u32 $0x380, s15;
	v7 =	vld [tilespmem:s14+$0x0];
	v8 =	vmax.f32 v1, v2  }
0x17: {  	v9 =	vld [tilespmem:s15+$0x0];
	v8 =	vmax.f32 v8, v3  }
0x18: {  	v8 =	vmax.f32 v8, v4  }
0x19: {  	v8 =	vmax.f32 v8, v5  }
0x1a: {  	v8 =	vmax.f32 v8, v6  }
0x1b: {  	v8 =	vmax.f32 v8, v7  }
0x1c: {  	v10 =	vmax.f32 v8, v9  }
0x1d: {  	v1 =	vsub.f32 v1, v10  }
0x1e: {  	v2 =	vsub.f32 v2, v10  }
0x1f: {  	v3 =	vsub.f32 v3, v10;
	v1 =	vmul.f32 $1.442695020e+00, v1  }
0x20: {  	v2 =	vmul.f32 $1.442695020e+00, v2  }
0x21: {  	(erf) = vpow2.f32 v1;
	v1 =	vmul.f32 $1.442695020e+00, v3  }
0x22: {  	v3 =	vsub.f32 v4, v10;
	(erf) = vpow2.f32 v2  }
0x23: {  	(erf) = vpow2.f32 v1  }
0x24: {  	v2 =	vsub.f32 v5, v10;
	v1 =	vmul.f32 $1.442695020e+00, v3;
	_ =	sdelay $0x1  }
0x25: {  	(erf) = vpow2.f32 v1;
	v1 =	vmul.f32 $1.442695020e+00, v2;
	v2 =	vsub.f32 v6, v10;
	_ =	sdelay $0x1  }
0x26: {  	(erf) = vpow2.f32 v1;
	v1 =	vmul.f32 $1.442695020e+00, v2;
	v2 =	vsub.f32 v7, v10;
	_ =	sdelay $0x1  }
0x27: {  	v7 =	vpop (erf);
	(erf) = vpow2.f32 v1;
	v1 =	vmul.f32 $1.442695020e+00, v2  }
0x28: {  	v2 =	vsub.f32 v9, v10;
	v63 =	vpop (erf)  }
0x29: {  	v20 =	vpop (erf);
	(erf) = vpow2.f32 v1  }
0x2a: {  	v1 =	vmul.f32 $1.442695020e+00, v2;
	vm0 =	vgt.f32 v63, v7;
	vm14 =	vge.f32 v7, v63  }
0x2b: {  	v28 =	vadd.f32 v63, v7;
	vm1 =	vgt.f32 v20, v7;
	v2 =	vsel vm0, $0x3F800000, v0  }
0x2c: {  	vm15 =	vgt.f32 v20, v63;
	v22 =	vsel vm14, $0x3F800000, v0;
	vm14 =	vge.f32 v63, v20  }
0x2d: {  	v21 =	vpop (erf);
	v3 =	vsel vm1, $0x3F800000, v0;
	(erf) = vpow2.f32 v1;
	v23 =	vsel vm15, $0x3F800000, v0  }
0x2e: {  	v13 =	vsel vm14, $0x3F800000, v0;
	v1 =	vadd.f32 v3, v2;
	vm12 =	vgt.f32 v21, v7  }
0x2f: {  	v9 =	vadd.f32 v23, v22;
	vm5 =	vgt.f32 v21, v63;
	vm15 =	vgt.f32 v21, v20;
	v6 =	vpop (erf)  }
0x30: {  	v2 =	vsel vm12, $0x3F800000, v0;
	v33 =	vsel vm15, $0x3F800000, v0;
	vm13 =	vgt.f32 v6, v7  }
0x31: {  	v2 =	vadd.f32 v1, v2;
	vm7 =	vgt.f32 v6, v63;
	v3 =	vsel vm13, $0x3F800000, v0  }
0x32: {  	v26 =	vsel vm7, $0x3F800000, v0;
	vm13 =	vge.f32 v7, v20;
	vm7 =	vgt.f32 v6, v20  }
0x33: {  	v1 =	vpop (erf);
	v3 =	vadd.f32 v2, v3;
	v32 =	vsel vm13, $0x3F800000, v0;
	v14 =	vsel vm7, $0x3F800000, v0  }
0x34: {  	vm4 =	vgt.f32 v1, v7;
	vm9 =	vgt.f32 v1, v63;
	vm7 =	vge.f32 v63, v1  }
0x35: {  	v11 =	vsel vm4, $0x3F800000, v0;
	v12 =	vsel vm9, $0x3F800000, v0;
	vm4 =	vge.f32 v7, v21  }
0x36: {  	v2 =	vpop (erf);
	vm9 =	vgt.f32 v1, v20;
	v47 =	vsel vm7, $0x3F800000, v0;
	v24 =	vadd.f32 v3, v11  }
0x37: {  	vm6 =	vgt.f32 v2, v7;
	v3 =	vsel vm5, $0x3F800000, v0;
	vm10 =	vgt.f32 v2, v63  }
0x38: {  	v11 =	vadd.f32 v28, v20;
	v34 =	vsel vm4, $0x3F800000, v0;
	v37 =	vsel vm9, $0x3F800000, v0  }
0x39: {  	vm14 =	vgt.f32 v2, v21;
	vm4 =	vge.f32 v7, v6;
	vm9 =	vge.f32 v20, v1  }
0x3a: {  	vm7 =	vge.f32 v63, v2;
	v25 =	vsel vm6, $0x3F800000, v0;
	v9 =	vadd.f32 v9, v3  }
0x3b: {  	v29 =	vsel vm10, $0x3F800000, v0;
	vm6 =	vge.f32 v63, v21;
	vm10 =	vgt.f32 v6, v21  }
0x3c: {  	v43 =	vsel vm14, $0x3F800000, v0;
	v15 =	vsel vm4, $0x3F800000, v0;
	v48 =	vsel vm9, $0x3F800000, v0  }
0x3d: {  	vm14 =	vgt.f32 v2, v6;
	v17 =	vsel vm7, $0x3F800000, v0;
	vm9 =	vge.f32 v20, v2  }
0x3e: {  	v10 =	vadd.f32 v24, v25;
	v35 =	vsel vm6, $0x3F800000, v0;
	v38 =	vsel vm10, $0x3F800000, v0  }
0x3f: {  	vm6 =	vge.f32 v7, v1;
	vm10 =	vge.f32 v21, v6;
	v53 =	vsel vm14, $0x3F800000, v0  }
0x40: {  	v11 =	vadd.f32 v11, v21;
	v61 =	vsel vm9, $0x3F800000, v0;
	vm14 =	vge.f32 v6, v2  }
0x41: {  	v3 =	vpop (erf);
	v9 =	vadd.f32 v9, v26;
	v46 =	vsel vm6, $0x3F800000, v0;
	v49 =	vsel vm10, $0x3F800000, v0  }
0x42: {  	vm6 =	vge.f32 v7, v2;
	vm8 =	vgt.f32 v3, v7;
	vm12 =	vgt.f32 v3, v63  }
0x43: {  	vm13 =	vgt.f32 v3, v20;
	vm15 =	vgt.f32 v3, v21;
	vm4 =	vgt.f32 v3, v6  }
0x44: {  	v58 =	vsel vm6, $0x3F800000, v0;
	v11 =	vadd.f32 v11, v6;
	vm6 =	vgt.f32 v3, v2  }
0x45: {  	vm7 =	vge.f32 v6, v3;
	v27 =	vsel vm8, $0x3F800000, v0;
	v9 =	vadd.f32 v9, v12  }
0x46: {  	v31 =	vsel vm12, $0x3F800000, v0;
	v12 =	vadd.f32 v13, v32;
	vm8 =	vge.f32 v20, v21  }
0x47: {  	vm12 =	vgt.f32 v1, v21;
	v41 =	vsel vm13, $0x3F800000, v0;
	v44 =	vsel vm15, $0x3F800000, v0  }
0x48: {  	vm13 =	vge.f32 v6, v1;
	vm15 =	vgt.f32 v2, v1;
	v55 =	vsel vm4, $0x3F800000, v0  }
0x49: {  	v59 =	vadd.f32 v17, v58;
	vm4 =	vge.f32 v1, v2;
	v24 =	vsel vm7, $0x3F800000, v0  }
0x4a: {  	v10 =	vadd.f32 v10, v27;
	v36 =	vsel vm8, $0x3F800000, v0;
	v40 =	vsel vm12, $0x3F800000, v0  }
0x4b: {  	vm8 =	vge.f32 v20, v6;
	vm12 =	vgt.f32 v1, v6;
	v52 =	vsel vm13, $0x3F800000, v0  }
0x4c: {  	v54 =	vsel vm15, $0x3F800000, v0;
	v11 =	vadd.f32 v11, v1;
	vm13 =	vge.f32 v63, v3  }
0x4d: {  	vm15 =	vge.f32 v20, v3;
	v30 =	vadd.f32 v9, v29;
	v12 =	vadd.f32 v12, v33  }
0x4e: {  	v16 =	vsel vm8, $0x3F800000, v0;
	v51 =	vsel vm12, $0x3F800000, v0;
	vm12 =	vge.f32 v7, v3  }
0x4f: {  	vm11 =	vlt.f32 v10, $4.500000000e+00;
	v10 =	vadd.f32 v30, v31;
	v12 =	vadd.f32 v12, v14  }
0x50: {  	v8 =	vsel vm13, $0x3F800000, v0;
	v9 =	vnsel vm11, $0x0, v7;
	vm11 =	vgt.f32 v2, v20  }
0x51: {  	vm5 =	vlt.f32 v10, $4.500000000e+00;
	v10 =	vadd.f32 v35, v34;
	v12 =	vadd.f32 v12, v37  }
0x52: {  	v19 =	vsel vm15, $0x3F800000, v0;
	v14 =	vadd.f32 v47, v46;
	v39 =	vsel vm11, $0x3F800000, v0  }
0x53: {  	v7 =	vsel vm12, $0x3F800000, v0;
	v10 =	vadd.f32 v10, v36;
	v12 =	vadd.f32 v12, v39  }
0x54: {  	vm11 =	vge.f32 v21, v1;
	v7 =	vadd.f32 v8, v7;
	v42 =	vnsel vm5, $0x0, v63  }
0x55: {  	vm5 =	vge.f32 v63, v6;
	v10 =	vadd.f32 v10, v38;
	v12 =	vadd.f32 v12, v41  }
0x56: {  	v14 =	vadd.f32 v14, v48;
	v50 =	vsel vm11, $0x3F800000, v0;
	v45 =	vsel vm5, $0x3F800000, v0  }
0x57: {  	v10 =	vadd.f32 v10, v40;
	vm0 =	vlt.f32 v12, $4.500000000e+00;
	v12 =	vadd.f32 v45, v15  }
0x58: {  	vm11 =	vge.f32 v21, v2;
	v7 =	vadd.f32 v7, v19;
	v14 =	vadd.f32 v14, v50  }
0x59: {  	vm5 =	vgt.f32 v3, v1;
	v10 =	vadd.f32 v10, v43;
	v12 =	vadd.f32 v12, v16  }
0x5a: {  	v57 =	vsel vm5, $0x3F800000, v0;
	vm5 =	vge.f32 v21, v3;
	v14 =	vadd.f32 v14, v52  }
0x5b: {  	v22 =	vsel vm5, $0x3F800000, v0;
	v10 =	vadd.f32 v10, v44;
	v12 =	vadd.f32 v12, v49  }
0x5c: {  	v62 =	vsel vm11, $0x3F800000, v0;
	v7 =	vadd.f32 v7, v22;
	v14 =	vadd.f32 v14, v54  }
0x5d: {  	v12 =	vadd.f32 v12, v51;
	vm8 =	vlt.f32 v10, $4.500000000e+00;
	v10 =	vadd.f32 v59, v61  }
0x5e: {  	v56 =	vnsel vm0, $0x0, v20;
	v20 =	vadd.f32 v42, v9;
	v7 =	vadd.f32 v7, v24  }
0x5f: {  	v23 =	vsel vm6, $0x3F800000, v0;
	v12 =	vadd.f32 v12, v53;
	v10 =	vadd.f32 v10, v62  }
0x60: {  	v63 =	vsel vm14, $0x3F800000, v0;
	v14 =	vadd.f32 v14, v57;
	v5 =	vadd.f32 v20, v56  }
0x61: {  	v60 =	vnsel vm8, $0x0, v21;
	v12 =	vadd.f32 v12, v55;
	v18 =	vadd.f32 v10, v63  }
0x62: {  	v21 =	vsel vm4, $0x3F800000, v0;
	vm8 =	vge.f32 v1, v3;
	v5 =	vadd.f32 v5, v60  }
0x63: {  	v25 =	vsel vm8, $0x3F800000, v0;
	vm10 =	vlt.f32 v12, $4.500000000e+00;
	v4 =	vadd.f32 v18, v21  }
0x64: {  	vm9 =	vlt.f32 v14, $4.500000000e+00;
	v12 =	vnsel vm10, $0x0, v6;
	v6 =	vadd.f32 v7, v25  }
0x65: {  	vm10 =	vge.f32 v2, v3;
	v4 =	vadd.f32 v4, v23;
	v5 =	vadd.f32 v5, v12  }
0x66: {  	v26 =	vadd.f32 v11, v2;
	v1 =	vnsel vm9, $0x0, v1;
	v27 =	vsel vm10, $0x3F800000, v0  }
0x67: {  	v28 =	vadd.f32 v6, v27;
	vm11 =	vlt.f32 v4, $4.500000000e+00;
	v5 =	vadd.f32 v5, v1  }
0x68: {  	v2 =	vnsel vm11, $0x0, v2  }
0x69: {  	v29 =	vadd.f32 v26, v3;
	vm12 =	vlt.f32 v28, $4.500000000e+00;
	v30 =	vadd.f32 v5, v2  }
0x6a: {  	v3 =	vnsel vm12, $0x0, v3  }
0x6b: {  	v31 =	vmul.f32 $9.999999930e-09, v29;
	v4 =	vadd.f32 v30, v3;
	_ =	sdelay $0x1  }
0x6c: {  	v4 =	vadd.f32 v4, v31;
	_ =	sdelay $0x1  }
0x6d: {  	(erf) = vrcp.f32 v4;
	_ =	sdelay $0x8  }
0x6e: {  	v4 =	vpop (erf)  }
0x6f: {  	v32 =	vmul.f32 v4, v9  }
0x70: {  	v33 =	vmul.f32 v4, v42  }
0x71: {  	v34 =	vmul.f32 v4, v56;
	[tilespmem:s12+$0x2000] =	vst v32  }
0x72: {  	v35 =	vmul.f32 v4, v60;
	[tilespmem:s12+$0x2080] =	vst v33  }
0x73: {  	v36 =	vmul.f32 v4, v12;
	[tilespmem:s12+$0x2100] =	vst v34  }
0x74: {  	v1 =	vmul.f32 v4, v1;
	[tilespmem:s12+$0x2180] =	vst v35  }
0x75: {  	v2 =	vmul.f32 v4, v2;
	[tilespmem:s12+$0x2200] =	vst v36  }
0x76: {  	[tilespmem:s12+$0x2280] =	vst v1;
	v1 =	vmul.f32 v4, v3  }
0x77: {  	[tilespmem:s14+$0x2000] =	vst v2  }
0x78: {  	[tilespmem:s15+$0x2000] =	vst v1  }
0x79: {  	v1 =	vld [tilespmem:s12+$0x10]  }
0x7a: {  	v2 =	vld [tilespmem:s12+$0x90]  }
0x7b: {  	v3 =	vld [tilespmem:s12+$0x110]  }
0x7c: {  	v37 =	vld [tilespmem:s12+$0x190]  }
0x7d: {  	s31 =	sadd.s32 $0x10, s13;
	v38 =	vld [tilespmem:s12+$0x210]  }
0x7e: {  	s13 =	sor.u32 $0x300, s31;
	v39 =	vld [tilespmem:s12+$0x290]  }
0x7f: {  	s14 =	sor.u32 $0x380, s31;
	v40 =	vld [tilespmem:s13+$0x0];
	v41 =	vmax.f32 v1, v2  }
0x80: {  	v42 =	vld [tilespmem:s14+$0x0];
	v8 =	vmax.f32 v41, v3  }
0x81: {  	v8 =	vmax.f32 v8, v37  }
0x82: {  	v8 =	vmax.f32 v8, v38  }
0x83: {  	v8 =	vmax.f32 v8, v39  }
0x84: {  	v8 =	vmax.f32 v8, v40  }
0x85: {  	v43 =	vmax.f32 v8, v42  }
0x86: {  	v1 =	vsub.f32 v1, v43;
	_ =	sdelay $0x1  }
0x87: {  	v2 =	vsub.f32 v2, v43;
	v1 =	vmul.f32 $1.442695020e+00, v1  }
0x88: {  	v3 =	vsub.f32 v3, v43  }
0x89: {  	v2 =	vmul.f32 $1.442695020e+00, v2;
	(erf) = vpow2.f32 v1  }
0x8a: {  	v1 =	vmul.f32 $1.442695020e+00, v3;
	v3 =	vsub.f32 v37, v43  }
0x8b: {  	(erf) = vpow2.f32 v2  }
0x8c: {  	v2 =	vsub.f32 v38, v43;
	(erf) = vpow2.f32 v1;
	v1 =	vmul.f32 $1.442695020e+00, v3;
	_ =	sdelay $0x1  }
0x8d: {  	(erf) = vpow2.f32 v1;
	v1 =	vmul.f32 $1.442695020e+00, v2;
	v2 =	vsub.f32 v39, v43;
	_ =	sdelay $0x1  }
0x8e: {  	(erf) = vpow2.f32 v1;
	v1 =	vmul.f32 $1.442695020e+00, v2;
	v2 =	vsub.f32 v40, v43;
	_ =	sdelay $0x1  }
0x8f: {  	v7 =	vpop (erf);
	(erf) = vpow2.f32 v1;
	v1 =	vmul.f32 $1.442695020e+00, v2  }
0x90: {  	v2 =	vsub.f32 v42, v43  }
0x91: {  	v8 =	vpop (erf);
	(erf) = vpow2.f32 v1  }
0x92: {  	v4 =	vpop (erf);
	v1 =	vmul.f32 $1.442695020e+00, v2;
	vm13 =	vgt.f32 v8, v7;
	vm5 =	vge.f32 v7, v8  }
0x93: {  	v52 =	vadd.f32 v8, v7;
	vm14 =	vgt.f32 v4, v7;
	v2 =	vsel vm13, $0x3F800000, v0  }
0x94: {  	vm6 =	vgt.f32 v4, v8;
	v44 =	vsel vm5, $0x3F800000, v0;
	vm5 =	vge.f32 v8, v4  }
0x95: {  	v3 =	vsel vm14, $0x3F800000, v0;
	(erf) = vpow2.f32 v1;
	v45 =	vsel vm6, $0x3F800000, v0  }
0x96: {  	v5 =	vpop (erf);
	v11 =	vadd.f32 v52, v4;
	v57 =	vsel vm5, $0x3F800000, v0;
	v1 =	vadd.f32 v3, v2  }
0x97: {  	vm15 =	vgt.f32 v5, v7;
	v9 =	vadd.f32 v45, v44;
	vm6 =	vgt.f32 v5, v4  }
0x98: {  	vm8 =	vgt.f32 v5, v8;
	v6 =	vpop (erf);
	v2 =	vsel vm15, $0x3F800000, v0;
	v58 =	vsel vm6, $0x3F800000, v0  }
0x99: {  	v11 =	vadd.f32 v11, v5;
	vm4 =	vgt.f32 v6, v7;
	vm10 =	vgt.f32 v6, v8  }
0x9a: {  	v2 =	vadd.f32 v1, v2;
	v3 =	vsel vm4, $0x3F800000, v0;
	v49 =	vsel vm10, $0x3F800000, v0  }
0x9b: {  	vm4 =	vge.f32 v7, v4;
	vm10 =	vgt.f32 v6, v4;
	v11 =	vadd.f32 v11, v6  }
0x9c: {  	v1 =	vpop (erf);
	v3 =	vadd.f32 v2, v3;
	v56 =	vsel vm4, $0x3F800000, v0;
	v61 =	vsel vm10, $0x3F800000, v0  }
0x9d: {  	vm7 =	vgt.f32 v1, v7;
	vm12 =	vgt.f32 v1, v8;
	v12 =	vadd.f32 v57, v56  }
0x9e: {  	vm10 =	vge.f32 v8, v1;
	v11 =	vadd.f32 v11, v1;
	v46 =	vsel vm7, $0x3F800000, v0  }
0x9f: {  	v2 =	vpop (erf);
	v51 =	vsel vm12, $0x3F800000, v0;
	vm7 =	vge.f32 v7, v5;
	vm12 =	vgt.f32 v1, v4  }
0xa0: {  	v26 =	vsel vm10, $0x3F800000, v0;
	v47 =	vadd.f32 v3, v46;
	vm9 =	vgt.f32 v2, v7  }
0xa1: {  	v3 =	vsel vm8, $0x3F800000, v0;
	vm13 =	vgt.f32 v2, v8;
	v59 =	vsel vm7, $0x3F800000, v0  }
0xa2: {  	v12 =	vadd.f32 v12, v58;
	v63 =	vsel vm12, $0x3F800000, v0;
	vm5 =	vgt.f32 v2, v5  }
0xa3: {  	vm7 =	vge.f32 v7, v6;
	vm12 =	vge.f32 v4, v1;
	vm10 =	vge.f32 v8, v2  }
0xa4: {  	v48 =	vsel vm9, $0x3F800000, v0;
	v9 =	vadd.f32 v9, v3;
	v53 =	vsel vm13, $0x3F800000, v0  }
0xa5: {  	vm9 =	vge.f32 v8, v5;
	vm13 =	vgt.f32 v6, v5;
	v21 =	vsel vm5, $0x3F800000, v0  }
0xa6: {  	v23 =	vsel vm7, $0x3F800000, v0;
	v28 =	vsel vm12, $0x3F800000, v0;
	vm5 =	vgt.f32 v2, v6  }
0xa7: {  	v39 =	vsel vm10, $0x3F800000, v0;
	vm12 =	vge.f32 v4, v2;
	v10 =	vadd.f32 v47, v48  }
0xa8: {  	v60 =	vsel vm9, $0x3F800000, v0;
	v12 =	vadd.f32 v12, v61;
	v16 =	vsel vm13, $0x3F800000, v0  }
0xa9: {  	vm9 =	vge.f32 v7, v1;
	vm13 =	vge.f32 v5, v6;
	v33 =	vsel vm5, $0x3F800000, v0  }
0xaa: {  	v42 =	vsel vm12, $0x3F800000, v0;
	vm5 =	vge.f32 v6, v2;
	v9 =	vadd.f32 v9, v49  }
0xab: {  	v3 =	vpop (erf);
	v25 =	vsel vm9, $0x3F800000, v0;
	v29 =	vsel vm13, $0x3F800000, v0;
	vm9 =	vge.f32 v7, v2  }
0xac: {  	v44 =	vsel vm5, $0x3F800000, v0;
	vm11 =	vgt.f32 v3, v7;
	vm15 =	vgt.f32 v3, v8  }
0xad: {  	v12 =	vadd.f32 v12, v63;
	vm4 =	vgt.f32 v3, v4;
	vm6 =	vgt.f32 v3, v5  }
0xae: {  	v14 =	vadd.f32 v26, v25;
	vm7 =	vgt.f32 v3, v6;
	v38 =	vsel vm9, $0x3F800000, v0  }
0xaf: {  	vm9 =	vgt.f32 v3, v2;
	vm10 =	vge.f32 v6, v3;
	v50 =	vsel vm11, $0x3F800000, v0  }
0xb0: {  	v9 =	vadd.f32 v9, v51;
	v55 =	vsel vm15, $0x3F800000, v0;
	vm11 =	vge.f32 v4, v5  }
0xb1: {  	vm15 =	vgt.f32 v1, v5;
	v19 =	vsel vm4, $0x3F800000, v0;
	v22 =	vsel vm6, $0x3F800000, v0  }
0xb2: {  	vm4 =	vge.f32 v6, v1;
	vm6 =	vgt.f32 v2, v1;
	v35 =	vsel vm7, $0x3F800000, v0  }
0xb3: {  	v40 =	vadd.f32 v39, v38;
	vm7 =	vge.f32 v1, v2;
	v51 =	vsel vm10, $0x3F800000, v0  }
0xb4: {  	v10 =	vadd.f32 v10, v50;
	v62 =	vsel vm11, $0x3F800000, v0;
	v18 =	vsel vm15, $0x3F800000, v0  }
0xb5: {  	vm11 =	vge.f32 v4, v6;
	v14 =	vadd.f32 v14, v28;
	v54 =	vadd.f32 v9, v53  }
0xb6: {  	vm15 =	vgt.f32 v1, v6;
	v32 =	vsel vm4, $0x3F800000, v0;
	v34 =	vsel vm6, $0x3F800000, v0  }
0xb7: {  	vm4 =	vge.f32 v8, v3;
	vm14 =	vlt.f32 v10, $4.500000000e+00;
	v10 =	vadd.f32 v54, v55  }
0xb8: {  	vm6 =	vge.f32 v4, v3;
	v48 =	vsel vm7, $0x3F800000, v0;
	v9 =	vnsel vm14, $0x0, v7  }
0xb9: {  	vm14 =	vgt.f32 v2, v4;
	vm8 =	vlt.f32 v10, $4.500000000e+00;
	v10 =	vadd.f32 v60, v59  }
0xba: {  	v50 =	vsel vm9, $0x3F800000, v0;
	v27 =	vsel vm11, $0x3F800000, v0;
	v17 =	vsel vm14, $0x3F800000, v0  }
0xbb: {  	v31 =	vsel vm15, $0x3F800000, v0;
	v12 =	vadd.f32 v12, v17;
	v10 =	vadd.f32 v10, v62  }
0xbc: {  	vm15 =	vge.f32 v7, v3;
	vm14 =	vge.f32 v5, v1;
	v20 =	vnsel vm8, $0x0, v8  }
0xbd: {  	vm8 =	vge.f32 v8, v6;
	v12 =	vadd.f32 v12, v19;
	v10 =	vadd.f32 v10, v16  }
0xbe: {  	v46 =	vsel vm6, $0x3F800000, v0;
	v30 =	vsel vm14, $0x3F800000, v0;
	v24 =	vsel vm8, $0x3F800000, v0  }
0xbf: {  	vm0 =	vlt.f32 v12, $4.500000000e+00;
	v12 =	vadd.f32 v24, v23;
	v10 =	vadd.f32 v10, v18  }
0xc0: {  	v7 =	vsel vm15, $0x3F800000, v0;
	vm14 =	vge.f32 v5, v2;
	v14 =	vadd.f32 v14, v30  }
0xc1: {  	v8 =	vsel vm4, $0x3F800000, v0;
	v12 =	vadd.f32 v12, v27;
	v10 =	vadd.f32 v10, v21  }
0xc2: {  	v43 =	vsel vm14, $0x3F800000, v0;
	v7 =	vadd.f32 v8, v7;
	v47 =	vadd.f32 v20, v9  }
0xc3: {  	vm8 =	vgt.f32 v3, v1;
	v12 =	vadd.f32 v12, v29;
	v10 =	vadd.f32 v10, v22  }
0xc4: {  	v14 =	vadd.f32 v14, v32;
	v37 =	vsel vm8, $0x3F800000, v0;
	vm8 =	vge.f32 v5, v3  }
0xc5: {  	v12 =	vadd.f32 v12, v31;
	vm11 =	vlt.f32 v10, $4.500000000e+00;
	v10 =	vadd.f32 v40, v42  }
0xc6: {  	v7 =	vadd.f32 v7, v46;
	v49 =	vsel vm8, $0x3F800000, v0;
	v14 =	vadd.f32 v14, v34  }
0xc7: {  	v36 =	vnsel vm0, $0x0, v4;
	v12 =	vadd.f32 v12, v33;
	v10 =	vadd.f32 v10, v43  }
0xc8: {  	v7 =	vadd.f32 v7, v49;
	v41 =	vnsel vm11, $0x0, v5;
	v5 =	vadd.f32 v47, v36  }
0xc9: {  	vm11 =	vge.f32 v1, v3;
	v12 =	vadd.f32 v12, v35;
	v45 =	vadd.f32 v10, v44  }
0xca: {  	v14 =	vadd.f32 v14, v37;
	v7 =	vadd.f32 v7, v51;
	v52 =	vsel vm11, $0x3F800000, v0  }
0xcb: {  	v5 =	vadd.f32 v5, v41;
	vm13 =	vlt.f32 v12, $4.500000000e+00;
	v4 =	vadd.f32 v45, v48  }
0xcc: {  	vm12 =	vlt.f32 v14, $4.500000000e+00;
	v12 =	vnsel vm13, $0x0, v6;
	v6 =	vadd.f32 v7, v52  }
0xcd: {  	vm13 =	vge.f32 v2, v3;
	v5 =	vadd.f32 v5, v12;
	v4 =	vadd.f32 v4, v50  }
0xce: {  	v53 =	vadd.f32 v11, v2;
	v1 =	vnsel vm12, $0x0, v1;
	v54 =	vsel vm13, $0x3F800000, v0  }
0xcf: {  	v55 =	vadd.f32 v6, v54;
	v5 =	vadd.f32 v5, v1;
	vm14 =	vlt.f32 v4, $4.500000000e+00  }
0xd0: {  	v2 =	vnsel vm14, $0x0, v2  }
0xd1: {  	v56 =	vadd.f32 v53, v3;
	vm15 =	vlt.f32 v55, $4.500000000e+00;
	v57 =	vadd.f32 v5, v2  }
0xd2: {  	v3 =	vnsel vm15, $0x0, v3  }
0xd3: {  	v58 =	vmul.f32 $9.999999930e-09, v56;
	v4 =	vadd.f32 v57, v3;
	_ =	sdelay $0x1  }
0xd4: {  	v4 =	vadd.f32 v4, v58;
	_ =	sdelay $0x1  }
0xd5: {  	(erf) = vrcp.f32 v4;
	_ =	sdelay $0x8  }
0xd6: {  	v4 =	vpop (erf)  }
0xd7: {  	v59 =	vmul.f32 v4, v9  }
0xd8: {  	v60 =	vmul.f32 v4, v20  }
0xd9: {  	v61 =	vmul.f32 v4, v36;
	[tilespmem:s12+$0x2010] =	vst v59  }
0xda: {  	v62 =	vmul.f32 v4, v41;
	[tilespmem:s12+$0x2090] =	vst v60  }
0xdb: {  	p0 =	sne.s32 s11, $0x3E0;
	v63 =	vmul.f32 v4, v12;
	[tilespmem:s12+$0x2110] =	vst v61  }
.Ltmp0:
0xdc: {  	v1 =	vmul.f32 v4, v1;
	[tilespmem:s12+$0x2190] =	vst v62;
	(pc) =	sbr.rel @p0 .LBB2_2-.Ltmp0, $4  }
0xdd: {  	v2 =	vmul.f32 v4, v2;
	[tilespmem:s12+$0x2210] =	vst v63  }
0xde: {  	[tilespmem:s12+$0x2290] =	vst v1;
	v1 =	vmul.f32 v4, v3  }
0xdf: {  	[tilespmem:s13+$0x2000] =	vst v2  }
0xe0: {  	s9 =	sadd.s32 $0x1, s9;
	s11 =	sadd.s32 $0x20, s11;
	s10 =	sadd.s32 $0x100, s10;
	[tilespmem:s14+$0x2000] =	vst v1  }
0xe1: {  	s8 =	sadd.s32 $0x1, s8  }
0xe2: {  	p0 =	sne.s32 s8, s5  }
.Ltmp1:
0xe3: {  	_ = 	snop;
	(pc) =	sbr.rel @p0 .LBB2_1-.Ltmp1, $4  }
0xe4: {  	[hbm4b:s4+s2] =	stream.linear.scatter [tilespmem:s7], [sflag:$0x1], $0x2000, $0x38;
	[tilespmem:$0x4000] =	vst v63  }
0xe5: {  	_ =	swait.ge [sflag:s6], $0x2000  }
0xe6: {  	[sflag:s6] =	ssyncset.done $0x0  }
0xe7: {  	[sflag:s6] =	ssyncadd.s32 $0xFFFFE000  }
0xe8: {  	_ =	sfence.sel $0x180000  }
0xe9: {  	[bflag:$0x0] =	sbarrier.arrive $0xFFFF  }
0xea: {  	p0 =	sne.s32 s1, $0x0;
	_ =	strace $0x90000047  }
0xeb: {  	s0 =	sadd.s32 @!p0 $0x100000, s0;
	[bflag:$0x2] =	sbarrier.arrive $0xFFFF  }
0xec: {  	[sflag:s0] =	ssyncadd.tile.s32 @!p0 $0x1;
	_ =	shalt  }
.Lfunc_end2:
_tile_overlayer_lowered:
.L_overlay_start_2:
0xed: {  	(tag) =	ssettag $0x2  }
0xee: {  	s0 =	rddreg [dreg:$0x0];
	s2 =	stileid.u32  }
0xef: {  	s1 =	rddreg [dreg:$0x1];
	p0 =	sne.s32 s2, $0x0  }
0xf0: {  	s3 =	rddreg [dreg:$0x2];
	[bflag:$0x3] =	sbarrier.arrive $0xFFFF;
	s2 =	simm.s32 @!p0 $0x1C01  }
0xf1: {  	[timem:s3], [sflag:s2] =	dma.local @!p0 [hbm:s0], s1  }
0xf2: {  	s0 =	simm.s32 @!p0 $0x1  }
0xf3: {  	_ =	swait.ge @!p0 [sflag:s0], s1  }
0xf4: {  	s1 =	ssub.s32 @!p0 $0x0, s1;
	[sflag:s0] =	ssyncset.done @!p0 $0x0  }
0xf5: {  	[sflag:s0] =	ssyncadd.s32 @!p0 s1  }
0xf6: {  	[bflag:$0x3] =	sbarrier.arrive $0xFFFF  }
0xf7: {  	_ =	shalt  }

</sc_bundles>
